<compile_context>
chip_gen: v7x
topology: tpu7x:2x2x1
jax: 0.10.2.dev20260603
libtpu: 0.0.44.dev20260713+nightly
codegen_flags: <defaults>
</compile_context>

<pallas_src>
import functools

import jax
import jax.numpy as jnp
from jax import lax
from jax.experimental import pallas as pl
from jax.experimental.pallas import tpu as pltpu
from jax.experimental.pallas import tpu_sc as plsc

B = 1024
D = 128
M = 100000
C = 5000
CP = 5120
TEMP = 0.05
TOP = 0.1

NC = 2
NS = 16
NW = NC * NS
CHUNK = 96
NFULL = M // CHUNK
TAIL = M - NFULL * CHUNK
ITERS = (NFULL + NW - 1) // NW
TAIL_W = NFULL % NW
RPT = CP // NS
CW = 128

BLK = 256
GRID = B // BLK
BISECT_ITERS = 16


def _sc_body(feat_hbm, lbl_hbm, idx_hbm,
             gparts_hbm, cparts_hbm, tgt_hbm,
             feat_v, lbl_v, feat_t, lbl_t, ones_v,
             idx_v, tgt_v, fsem, lsem, g_sh, cnt_sh):
    c = lax.axis_index("c")
    s = lax.axis_index("s")
    w = s * NC + c
    r0 = s * RPT

    zv = jnp.zeros((16,), jnp.float32)
    ov = jnp.ones((16,), jnp.float32)
    def zrow(i, carry):
        for j in range(D // 16):
            feat_v[0, i, pl.ds(j * 16, 16)] = zv
        for j in range(CW // 16):
            ones_v[i, pl.ds(j * 16, 16)] = zv
        return carry

    lax.fori_loop(0, CHUNK, zrow, 0)
    for k in range(3):
        pltpu.sync_copy(feat_v.at[0], g_sh.at[pl.ds(r0 + k * CHUNK, CHUNK)])
        pltpu.sync_copy(ones_v, cnt_sh.at[pl.ds(r0 + k * CHUNK, CHUNK)])
    pltpu.sync_copy(feat_v.at[0, pl.ds(0, RPT - 3 * CHUNK)],
                    g_sh.at[pl.ds(r0 + 3 * CHUNK, RPT - 3 * CHUNK)])
    pltpu.sync_copy(ones_v.at[pl.ds(0, RPT - 3 * CHUNK)],
                    cnt_sh.at[pl.ds(r0 + 3 * CHUNK, RPT - 3 * CHUNK)])

    def orow(i, carry):
        for j in range(CW // 16):
            ones_v[i, pl.ds(j * 16, 16)] = ov
        return carry

    lax.fori_loop(0, CHUNK, orow, 0)
    plsc.subcore_barrier()

    def fetch(i, slot):
        ch = w + i * NW

        @pl.when(ch < NFULL)
        def _():
            base = ch * CHUNK
            pltpu.async_copy(feat_hbm.at[pl.ds(base, CHUNK)],
                             feat_v.at[slot], fsem)
            pltpu.async_copy(lbl_hbm.at[pl.ds(base, CHUNK)],
                             lbl_v.at[slot], lsem)

    def consume(i, slot):
        ch = w + i * NW

        @pl.when(ch < NFULL)
        def _():
            pltpu.make_async_copy(feat_hbm.at[pl.ds(0, CHUNK)],
                                  feat_v.at[slot], fsem).wait()
            pltpu.make_async_copy(lbl_hbm.at[pl.ds(0, CHUNK)],
                                  lbl_v.at[slot], lsem).wait()
            pltpu.sync_copy(feat_v.at[slot], g_sh.at[lbl_v.at[slot]], add=True)
            pltpu.sync_copy(ones_v, cnt_sh.at[lbl_v.at[slot]], add=True)

    fetch(0, 0)

    def pair_body(k, carry):
        i = 2 * k
        fetch(i + 1, 1)
        consume(i, 0)
        fetch(i + 2, 0)
        consume(i + 1, 1)
        return carry

    lax.fori_loop(0, (ITERS + 1) // 2, pair_body, 0)

    @pl.when(w == TAIL_W)
    def _():
        base = NFULL * CHUNK
        pltpu.sync_copy(feat_hbm.at[pl.ds(base, TAIL)], feat_t)
        pltpu.sync_copy(lbl_hbm.at[pl.ds(base, TAIL)], lbl_t)
        pltpu.sync_copy(feat_t, g_sh.at[lbl_t], add=True)
        pltpu.sync_copy(ones_v.at[pl.ds(0, TAIL)], cnt_sh.at[lbl_t], add=True)

    @pl.when(w == 0)
    def _():
        def gather_body(k, carry):
            pltpu.sync_copy(idx_hbm.at[pl.ds(k * 128, 128)], idx_v)
            pltpu.sync_copy(lbl_hbm.at[idx_v], tgt_v)
            pltpu.sync_copy(tgt_v, tgt_hbm.at[pl.ds(k * 128, 128)])
            return carry

        lax.fori_loop(0, B // 128, gather_body, 0)

    plsc.subcore_barrier()

    pltpu.sync_copy(g_sh.at[pl.ds(r0, RPT)], gparts_hbm.at[c, pl.ds(r0, RPT)])
    pltpu.sync_copy(cnt_sh.at[pl.ds(r0, RPT)], cparts_hbm.at[c, pl.ds(r0, RPT)])


def _sc_segment_sum(features, labels, indexes):
    mesh = plsc.VectorSubcoreMesh(core_axis_name="c", subcore_axis_name="s")
    return pl.kernel(
        _sc_body,
        out_type=[
            jax.ShapeDtypeStruct((NC, CP, D), jnp.float32),
            jax.ShapeDtypeStruct((NC, CP, CW), jnp.float32),
            jax.ShapeDtypeStruct((B,), jnp.int32),
        ],
        mesh=mesh,
        scratch_types=[
            pltpu.VMEM((2, CHUNK, D), jnp.float32),
            pltpu.VMEM((2, CHUNK), jnp.int32),
            pltpu.VMEM((TAIL, D), jnp.float32),
            pltpu.VMEM((TAIL,), jnp.int32),
            pltpu.VMEM((CHUNK, CW), jnp.float32),
            pltpu.VMEM((128,), jnp.int32),
            pltpu.VMEM((128,), jnp.int32),
            pltpu.SemaphoreType.DMA,
            pltpu.SemaphoreType.DMA,
            pltpu.VMEM_SHARED((CP, D), jnp.float32),
            pltpu.VMEM_SHARED((CP, CW), jnp.float32),
        ],
    )(features, labels, indexes)


def _tc_body(x_ref, g_ref, cnt_ref, tgt_ref, out_ref):
    i = pl.program_id(0)
    x = x_ref[...]
    n = jnp.sqrt(jnp.sum(x * x, axis=1, keepdims=True))
    xn = x / jnp.maximum(n, 1e-12)
    g = g_ref[0] + g_ref[1]
    sim = lax.dot_general(xn, g, (((1,), (1,)), ((), ())),
                          preferred_element_type=jnp.float32)
    cnt = cnt_ref[...]
    maskf = (cnt > 0).astype(jnp.float32)
    simt = sim / TEMP / jnp.maximum(cnt, 1.0)
    exps = jnp.exp(simt) * maskf

    tgt = tgt_ref[0]
    oh = lax.broadcasted_iota(jnp.int32, (BLK, CP), 1) == tgt
    pos = jnp.sum(jnp.where(oh, exps, 0.0), axis=1, keepdims=True)
    neg = jnp.where(oh, 0.0, exps)
    nsum = jnp.sum(neg, axis=1, keepdims=True)
    tau = TOP * nsum

    lo = jnp.zeros_like(nsum)
    hi = jnp.max(neg, axis=1, keepdims=True) * 1.001 + 1e-20

    def bis(_, lh):
        lo_, hi_ = lh
        mid = 0.5 * (lo_ + hi_)
        smid = jnp.sum(jnp.where(neg >= mid, neg, 0.0), axis=1, keepdims=True)
        ge = smid >= tau
        return jnp.where(ge, mid, lo_), jnp.where(ge, hi_, mid)

    lo, hi = lax.fori_loop(0, BISECT_ITERS, bis, (lo, hi))

    vj0 = jnp.max(jnp.where(neg < hi, neg, -1.0), axis=1, keepdims=True)
    cum0 = jnp.sum(jnp.where(neg >= vj0, neg, 0.0), axis=1, keepdims=True)
    vprev = jnp.min(jnp.where(neg > vj0, neg, 3e38), axis=1, keepdims=True)
    cumprev = cum0 - vj0
    useprev = (vprev < 1e38) & ((tau - cumprev) <= (cum0 - tau))
    minval = jnp.where(useprev, vprev, vj0)

    surv = jnp.sum(jnp.where(neg >= minval, neg, 0.0), axis=1, keepdims=True)
    p = pos / (pos + surv + 1e-6)
    part = jnp.sum(-jnp.log(p + 1e-6)) * (1.0 / B)

    @pl.when(i == 0)
    def _():
        out_ref[...] = jnp.zeros((1, 1), jnp.float32)

    out_ref[...] += jnp.reshape(part, (1, 1))


def _tc_focal(results, gparts, cnt2, tgt3):
    out = pl.pallas_call(
        _tc_body,
        grid=(GRID,),
        in_specs=[
            pl.BlockSpec((BLK, D), lambda i: (i, 0)),
            pl.BlockSpec((NC, CP, D), lambda i: (0, 0, 0)),
            pl.BlockSpec((1, CP), lambda i: (0, 0)),
            pl.BlockSpec((1, BLK, 1), lambda i: (i, 0, 0)),
        ],
        out_specs=pl.BlockSpec((1, 1), lambda i: (0, 0)),
        out_shape=jax.ShapeDtypeStruct((1, 1), jnp.float32),
    )(results, gparts, cnt2, tgt3)
    return out[0, 0]


def kernel(results, indexes, features, labels):
    gparts, cparts, targets = _sc_segment_sum(features, labels, indexes)
    cnt = (cparts[0, :, 0] + cparts[1, :, 0]).reshape(1, CP)
    tgt3 = targets.reshape(GRID, BLK, 1)
    return _tc_focal(results, gparts, cnt, tgt3)

# --- scband reference (transcript-rebuilt; emitter-appended) ---
"""Pipeline reference for scband-cross-hybrid-memory-multi-focal-percent-8186207666551 (READ-ONLY COPY).

The authoritative reference and input builder live on the scoring server;
editing this copy changes nothing except your own understanding.
"""

import jax, jax.numpy as jnp
import numpy as np

B = 1024
NUM_FEATURES = 128
NUM_MEMORY = 100000
NUM_CLASSES = 5000
TEMP = 0.05
TOP_PERCENT = 0.1


def setup_inputs(seed: int = 0):
    key = jax.random.key(seed)
    k1, k2, k3, k4 = jax.random.split(key, 4)
    results = jax.random.normal(k1, (B, NUM_FEATURES), dtype=jnp.float32)
    indexes = jax.random.randint(k2, (B,), 0, NUM_MEMORY, dtype=jnp.int32)
    features = jax.random.normal(k3, (NUM_MEMORY, NUM_FEATURES), dtype=jnp.float32)
    features = features / jnp.maximum(jnp.linalg.norm(features, axis=1, keepdims=True), 1e-12)
    labels = jax.random.randint(k4, (NUM_MEMORY,), 0, NUM_CLASSES, dtype=jnp.int32)
    return {"results": results, "indexes": indexes, "features": features, "labels": labels}


def _forward(results, features, indexes, labels, C):
    # F.normalize(inputs, p=2, dim=1)
    n = jnp.linalg.norm(results, axis=1, keepdims=True)
    inputs = results / jnp.maximum(n, 1e-12)
    # hm(): inputs.mm(features.t()) (memory bank similarity), then /= temp
    sim_logits = (inputs @ features.T) / TEMP
    Bn = sim_logits.shape[0]
    targets = labels[indexes]
    # sim.index_add_(0, labels, inputs.t()) -> scatter-add over label ids
    sim = jax.ops.segment_sum(sim_logits.T, labels, num_segments=C)  # [C, B]
    nums = jax.ops.segment_sum(jnp.ones((labels.shape[0], 1), jnp.float32), labels, num_segments=C)  # [C, 1]
    mask = (nums > 0).astype(jnp.float32)
    sim = sim / (mask * nums + (1.0 - mask))
    sim_t = sim.T  # [B, C]
    mask_t = jnp.broadcast_to(mask, sim.shape).T  # [B, C]
    # masked_softmax_multi_focal
    exps = jnp.exp(sim_t)
    one_hot_pos = jax.nn.one_hot(targets, C, dtype=exps.dtype)
    masked_exps = exps * mask_t
    pos_exps = jnp.where(one_hot_pos > 0, masked_exps, 0.0)
    neg_exps = jnp.where(one_hot_pos > 0, 0.0, masked_exps)
    ori_neg = neg_exps
    neg_norm = neg_exps / neg_exps.sum(axis=1, keepdims=True)
    sorted_desc = -jnp.sort(-neg_norm, axis=1)  # descending sort
    cum = jnp.cumsum(sorted_desc, axis=1)
    diff = jnp.abs(cum - TOP_PERCENT)
    min_idx = jnp.argmin(diff, axis=1)
    min_vals = jnp.take_along_axis(sorted_desc, min_idx[:, None], axis=1) * ori_neg.sum(axis=1, keepdims=True)
    ori_neg = jnp.where(ori_neg < min_vals, 0.0, ori_neg)
    new_exps = jnp.where(one_hot_pos > 0, pos_exps, ori_neg)
    masked_sums = new_exps.sum(axis=1, keepdims=True) + 1e-6
    masked_sim = new_exps / masked_sums
    logp = jnp.log(masked_sim + 1e-6)
    # F.nll_loss with mean reduction
    loss = -jnp.mean(logp[jnp.arange(Bn), targets])
    return loss


def reference(results, indexes, features, labels):
    C = NUM_CLASSES
    return _forward(results, features, indexes, labels, C)

if __name__ == "__main__":
    import jax
    _d = setup_inputs()
    print(jax.jit(kernel)(*tuple(_d.values())))

</pallas_src>

<mosaic_0001>
#map = affine_map<(d0, d1) -> (0, 0)>
#map1 = affine_map<(d0, d1) -> (0)>
#map2 = affine_map<(d0, d1) -> (0, 0, 0)>
module attributes {stable_mosaic.version = 14 : i64} {
  func.func @_sc_body(%arg0: i32, %arg1: i32, %arg2: memref<100000x128xf32, #tpu.memory_space<hbm>>, %arg3: memref<100000xi32, #tpu.memory_space<hbm>>, %arg4: memref<1024xi32, #tpu.memory_space<hbm>>, %arg5: memref<2x5120x128xf32, #tpu.memory_space<hbm>>, %arg6: memref<2x5120x128xf32, #tpu.memory_space<hbm>>, %arg7: memref<1024xi32, #tpu.memory_space<hbm>>, %arg8: memref<2x96x128xf32, #tpu.memory_space<vmem>>, %arg9: memref<2x96xi32, #tpu.memory_space<vmem>>, %arg10: memref<64x128xf32, #tpu.memory_space<vmem>>, %arg11: memref<64xi32, #tpu.memory_space<vmem>>, %arg12: memref<96x128xf32, #tpu.memory_space<vmem>>, %arg13: memref<128xi32, #tpu.memory_space<vmem>>, %arg14: memref<128xi32, #tpu.memory_space<vmem>>, %arg15: memref<!tpu.dma_semaphore, #tpu.memory_space<semaphore_mem>>, %arg16: memref<!tpu.dma_semaphore, #tpu.memory_space<semaphore_mem>>, %arg17: memref<5120x128xf32, #tpu.memory_space<vmem_shared>>, %arg18: memref<5120x128xf32, #tpu.memory_space<vmem_shared>>) attributes {dimension_semantics = [#tpu.dimension_semantics<core_parallel>, #tpu.dimension_semantics<subcore_parallel>], iteration_bounds = array<i64: 2, 16>, scalar_prefetch = 0 : i64, scratch_operands = 11 : i64, tpu.core_type = #tpu.core_type<sc_vector_subcore>, window_params = [{transform_indices = #map}, {transform_indices = #map1}, {transform_indices = #map1}, {transform_indices = #map2}, {transform_indices = #map2}, {transform_indices = #map1}]} {
    %mul3A = arith.constant 2 : i32
    %mul3A_0 = arith.muli %arg1, %mul3A : i32
    %add3A = arith.addi %mul3A_0, %arg0 : i32
    %mul3A_1 = arith.constant 320 : i32
    %mul3A_2 = arith.muli %arg1, %mul3A_1 : i32
    %broadcast_in_dim3A = arith.constant 0.000000e+00 : f32
    %broadcast_in_dim3A_3 = vector.broadcast %broadcast_in_dim3A : f32 to vector<16xf32>
    %broadcast_in_dim3A_4 = arith.constant 1.000000e+00 : f32
    %broadcast_in_dim3A_5 = vector.broadcast %broadcast_in_dim3A_4 : f32 to vector<16xf32>
    %scan3A = arith.constant 0 : i32
    %scan3A_6 = arith.constant 0 : i32
    %scan3A_7 = arith.constant 96 : i32
    %scan3A_8 = arith.addi %scan3A_6, %scan3A_7 : i32
    %scan3A_9 = arith.constant 1 : i32
    scf.for %scan3A_56 = %scan3A_6 to %scan3A_8 step %scan3A_9  : i32 {
      %swap3A = arith.constant 0 : i32
      %swap3A_57 = arith.index_cast %swap3A : i32 to index
      %swap3A_58 = arith.index_cast %scan3A_56 : i32 to index
      %swap3A_59 = arith.constant 0 : index
      %swap3A_60 = tpu.vector_load %arg8[%swap3A_57, %swap3A_58, %swap3A_59] {strides = array<i32>} : memref<2x96x128xf32, #tpu.memory_space<vmem>>, vector<1x1x16xf32>,
      %swap3A_61 = vector.shape_cast %swap3A_60 : vector<1x1x16xf32> to vector<16xf32>
      %swap3A_62 = vector.shape_cast %broadcast_in_dim3A_3 : vector<16xf32> to vector<1x1x16xf32>
      tpu.vector_store %arg8[%swap3A_57, %swap3A_58, %swap3A_59], %swap3A_62 {strides = array<i32>} : memref<2x96x128xf32, #tpu.memory_space<vmem>>, vector<1x1x16xf32>,
      %swap3A_63 = arith.constant 0 : i32
      %swap3A_64 = arith.index_cast %swap3A_63 : i32 to index
      %swap3A_65 = arith.index_cast %scan3A_56 : i32 to index
      %swap3A_66 = arith.constant 16 : index
      %swap3A_67 = tpu.vector_load %arg8[%swap3A_64, %swap3A_65, %swap3A_66] {strides = array<i32>} : memref<2x96x128xf32, #tpu.memory_space<vmem>>, vector<1x1x16xf32>,
      %swap3A_68 = vector.shape_cast %swap3A_67 : vector<1x1x16xf32> to vector<16xf32>
      %swap3A_69 = vector.shape_cast %broadcast_in_dim3A_3 : vector<16xf32> to vector<1x1x16xf32>
      tpu.vector_store %arg8[%swap3A_64, %swap3A_65, %swap3A_66], %swap3A_69 {strides = array<i32>} : memref<2x96x128xf32, #tpu.memory_space<vmem>>, vector<1x1x16xf32>,
      %swap3A_70 = arith.constant 0 : i32
      %swap3A_71 = arith.index_cast %swap3A_70 : i32 to index
      %swap3A_72 = arith.index_cast %scan3A_56 : i32 to index
      %swap3A_73 = arith.constant 32 : index
      %swap3A_74 = tpu.vector_load %arg8[%swap3A_71, %swap3A_72, %swap3A_73] {strides = array<i32>} : memref<2x96x128xf32, #tpu.memory_space<vmem>>, vector<1x1x16xf32>,
      %swap3A_75 = vector.shape_cast %swap3A_74 : vector<1x1x16xf32> to vector<16xf32>
      %swap3A_76 = vector.shape_cast %broadcast_in_dim3A_3 : vector<16xf32> to vector<1x1x16xf32>
      tpu.vector_store %arg8[%swap3A_71, %swap3A_72, %swap3A_73], %swap3A_76 {strides = array<i32>} : memref<2x96x128xf32, #tpu.memory_space<vmem>>, vector<1x1x16xf32>,
      %swap3A_77 = arith.constant 0 : i32
      %swap3A_78 = arith.index_cast %swap3A_77 : i32 to index
      %swap3A_79 = arith.index_cast %scan3A_56 : i32 to index
      %swap3A_80 = arith.constant 48 : index
      %swap3A_81 = tpu.vector_load %arg8[%swap3A_78, %swap3A_79, %swap3A_80] {strides = array<i32>} : memref<2x96x128xf32, #tpu.memory_space<vmem>>, vector<1x1x16xf32>,
      %swap3A_82 = vector.shape_cast %swap3A_81 : vector<1x1x16xf32> to vector<16xf32>
      %swap3A_83 = vector.shape_cast %broadcast_in_dim3A_3 : vector<16xf32> to vector<1x1x16xf32>
      tpu.vector_store %arg8[%swap3A_78, %swap3A_79, %swap3A_80], %swap3A_83 {strides = array<i32>} : memref<2x96x128xf32, #tpu.memory_space<vmem>>, vector<1x1x16xf32>,
      %swap3A_84 = arith.constant 0 : i32
      %swap3A_85 = arith.index_cast %swap3A_84 : i32 to index
      %swap3A_86 = arith.index_cast %scan3A_56 : i32 to index
      %swap3A_87 = arith.constant 64 : index
      %swap3A_88 = tpu.vector_load %arg8[%swap3A_85, %swap3A_86, %swap3A_87] {strides = array<i32>} : memref<2x96x128xf32, #tpu.memory_space<vmem>>, vector<1x1x16xf32>,
      %swap3A_89 = vector.shape_cast %swap3A_88 : vector<1x1x16xf32> to vector<16xf32>
      %swap3A_90 = vector.shape_cast %broadcast_in_dim3A_3 : vector<16xf32> to vector<1x1x16xf32>
      tpu.vector_store %arg8[%swap3A_85, %swap3A_86, %swap3A_87], %swap3A_90 {strides = array<i32>} : memref<2x96x128xf32, #tpu.memory_space<vmem>>, vector<1x1x16xf32>,
      %swap3A_91 = arith.constant 0 : i32
      %swap3A_92 = arith.index_cast %swap3A_91 : i32 to index
      %swap3A_93 = arith.index_cast %scan3A_56 : i32 to index
      %swap3A_94 = arith.constant 80 : index
      %swap3A_95 = tpu.vector_load %arg8[%swap3A_92, %swap3A_93, %swap3A_94] {strides = array<i32>} : memref<2x96x128xf32, #tpu.memory_space<vmem>>, vector<1x1x16xf32>,
      %swap3A_96 = vector.shape_cast %swap3A_95 : vector<1x1x16xf32> to vector<16xf32>
      %swap3A_97 = vector.shape_cast %broadcast_in_dim3A_3 : vector<16xf32> to vector<1x1x16xf32>
      tpu.vector_store %arg8[%swap3A_92, %swap3A_93, %swap3A_94], %swap3A_97 {strides = array<i32>} : memref<2x96x128xf32, #tpu.memory_space<vmem>>, vector<1x1x16xf32>,
      %swap3A_98 = arith.constant 0 : i32
      %swap3A_99 = arith.index_cast %swap3A_98 : i32 to index
      %swap3A_100 = arith.index_cast %scan3A_56 : i32 to index
      %swap3A_101 = arith.constant 96 : index
      %swap3A_102 = tpu.vector_load %arg8[%swap3A_99, %swap3A_100, %swap3A_101] {strides = array<i32>} : memref<2x96x128xf32, #tpu.memory_space<vmem>>, vector<1x1x16xf32>,
      %swap3A_103 = vector.shape_cast %swap3A_102 : vector<1x1x16xf32> to vector<16xf32>
      %swap3A_104 = vector.shape_cast %broadcast_in_dim3A_3 : vector<16xf32> to vector<1x1x16xf32>
      tpu.vector_store %arg8[%swap3A_99, %swap3A_100, %swap3A_101], %swap3A_104 {strides = array<i32>} : memref<2x96x128xf32, #tpu.memory_space<vmem>>, vector<1x1x16xf32>,
      %swap3A_105 = arith.constant 0 : i32
      %swap3A_106 = arith.index_cast %swap3A_105 : i32 to index
      %swap3A_107 = arith.index_cast %scan3A_56 : i32 to index
      %swap3A_108 = arith.constant 112 : index
      %swap3A_109 = tpu.vector_load %arg8[%swap3A_106, %swap3A_107, %swap3A_108] {strides = array<i32>} : memref<2x96x128xf32, #tpu.memory_space<vmem>>, vector<1x1x16xf32>,
      %swap3A_110 = vector.shape_cast %swap3A_109 : vector<1x1x16xf32> to vector<16xf32>
      %swap3A_111 = vector.shape_cast %broadcast_in_dim3A_3 : vector<16xf32> to vector<1x1x16xf32>
      tpu.vector_store %arg8[%swap3A_106, %swap3A_107, %swap3A_108], %swap3A_111 {strides = array<i32>} : memref<2x96x128xf32, #tpu.memory_space<vmem>>, vector<1x1x16xf32>,
      %swap3A_112 = arith.index_cast %scan3A_56 : i32 to index
      %swap3A_113 = arith.constant 0 : index
      %swap3A_114 = tpu.vector_load %arg12[%swap3A_112, %swap3A_113] {strides = array<i32>} : memref<96x128xf32, #tpu.memory_space<vmem>>, vector<1x16xf32>,
      %swap3A_115 = vector.shape_cast %swap3A_114 : vector<1x16xf32> to vector<16xf32>
      %swap3A_116 = vector.shape_cast %broadcast_in_dim3A_3 : vector<16xf32> to vector<1x16xf32>
      tpu.vector_store %arg12[%swap3A_112, %swap3A_113], %swap3A_116 {strides = array<i32>} : memref<96x128xf32, #tpu.memory_space<vmem>>, vector<1x16xf32>,
      %swap3A_117 = arith.index_cast %scan3A_56 : i32 to index
      %swap3A_118 = arith.constant 16 : index
      %swap3A_119 = tpu.vector_load %arg12[%swap3A_117, %swap3A_118] {strides = array<i32>} : memref<96x128xf32, #tpu.memory_space<vmem>>, vector<1x16xf32>,
      %swap3A_120 = vector.shape_cast %swap3A_119 : vector<1x16xf32> to vector<16xf32>
      %swap3A_121 = vector.shape_cast %broadcast_in_dim3A_3 : vector<16xf32> to vector<1x16xf32>
      tpu.vector_store %arg12[%swap3A_117, %swap3A_118], %swap3A_121 {strides = array<i32>} : memref<96x128xf32, #tpu.memory_space<vmem>>, vector<1x16xf32>,
      %swap3A_122 = arith.index_cast %scan3A_56 : i32 to index
      %swap3A_123 = arith.constant 32 : index
      %swap3A_124 = tpu.vector_load %arg12[%swap3A_122, %swap3A_123] {strides = array<i32>} : memref<96x128xf32, #tpu.memory_space<vmem>>, vector<1x16xf32>,
      %swap3A_125 = vector.shape_cast %swap3A_124 : vector<1x16xf32> to vector<16xf32>
      %swap3A_126 = vector.shape_cast %broadcast_in_dim3A_3 : vector<16xf32> to vector<1x16xf32>
      tpu.vector_store %arg12[%swap3A_122, %swap3A_123], %swap3A_126 {strides = array<i32>} : memref<96x128xf32, #tpu.memory_space<vmem>>, vector<1x16xf32>,
      %swap3A_127 = arith.index_cast %scan3A_56 : i32 to index
      %swap3A_128 = arith.constant 48 : index
      %swap3A_129 = tpu.vector_load %arg12[%swap3A_127, %swap3A_128] {strides = array<i32>} : memref<96x128xf32, #tpu.memory_space<vmem>>, vector<1x16xf32>,
      %swap3A_130 = vector.shape_cast %swap3A_129 : vector<1x16xf32> to vector<16xf32>
      %swap3A_131 = vector.shape_cast %broadcast_in_dim3A_3 : vector<16xf32> to vector<1x16xf32>
      tpu.vector_store %arg12[%swap3A_127, %swap3A_128], %swap3A_131 {strides = array<i32>} : memref<96x128xf32, #tpu.memory_space<vmem>>, vector<1x16xf32>,
      %swap3A_132 = arith.index_cast %scan3A_56 : i32 to index
      %swap3A_133 = arith.constant 64 : index
      %swap3A_134 = tpu.vector_load %arg12[%swap3A_132, %swap3A_133] {strides = array<i32>} : memref<96x128xf32, #tpu.memory_space<vmem>>, vector<1x16xf32>,
      %swap3A_135 = vector.shape_cast %swap3A_134 : vector<1x16xf32> to vector<16xf32>
      %swap3A_136 = vector.shape_cast %broadcast_in_dim3A_3 : vector<16xf32> to vector<1x16xf32>
      tpu.vector_store %arg12[%swap3A_132, %swap3A_133], %swap3A_136 {strides = array<i32>} : memref<96x128xf32, #tpu.memory_space<vmem>>, vector<1x16xf32>,
      %swap3A_137 = arith.index_cast %scan3A_56 : i32 to index
      %swap3A_138 = arith.constant 80 : index
      %swap3A_139 = tpu.vector_load %arg12[%swap3A_137, %swap3A_138] {strides = array<i32>} : memref<96x128xf32, #tpu.memory_space<vmem>>, vector<1x16xf32>,
      %swap3A_140 = vector.shape_cast %swap3A_139 : vector<1x16xf32> to vector<16xf32>
      %swap3A_141 = vector.shape_cast %broadcast_in_dim3A_3 : vector<16xf32> to vector<1x16xf32>
      tpu.vector_store %arg12[%swap3A_137, %swap3A_138], %swap3A_141 {strides = array<i32>} : memref<96x128xf32, #tpu.memory_space<vmem>>, vector<1x16xf32>,
      %swap3A_142 = arith.index_cast %scan3A_56 : i32 to index
      %swap3A_143 = arith.constant 96 : index
      %swap3A_144 = tpu.vector_load %arg12[%swap3A_142, %swap3A_143] {strides = array<i32>} : memref<96x128xf32, #tpu.memory_space<vmem>>, vector<1x16xf32>,
      %swap3A_145 = vector.shape_cast %swap3A_144 : vector<1x16xf32> to vector<16xf32>
      %swap3A_146 = vector.shape_cast %broadcast_in_dim3A_3 : vector<16xf32> to vector<1x16xf32>
      tpu.vector_store %arg12[%swap3A_142, %swap3A_143], %swap3A_146 {strides = array<i32>} : memref<96x128xf32, #tpu.memory_space<vmem>>, vector<1x16xf32>,
      %swap3A_147 = arith.index_cast %scan3A_56 : i32 to index
      %swap3A_148 = arith.constant 112 : index
      %swap3A_149 = tpu.vector_load %arg12[%swap3A_147, %swap3A_148] {strides = array<i32>} : memref<96x128xf32, #tpu.memory_space<vmem>>, vector<1x16xf32>,
      %swap3A_150 = vector.shape_cast %swap3A_149 : vector<1x16xf32> to vector<16xf32>
      %swap3A_151 = vector.shape_cast %broadcast_in_dim3A_3 : vector<16xf32> to vector<1x16xf32>
      tpu.vector_store %arg12[%swap3A_147, %swap3A_148], %swap3A_151 {strides = array<i32>} : memref<96x128xf32, #tpu.memory_space<vmem>>, vector<1x16xf32>,
    }
    %scan3A_10 = arith.constant 96 : i32
    %add3A_11 = arith.constant 0 : i32
    %add3A_12 = arith.addi %mul3A_2, %add3A_11 : i32
    %run_scoped3A = arith.constant 0 : i32
    "tpu.region"() ({
      %run_scoped3A_56 = tpu.sem_alloc : memref<!tpu.dma_semaphore, #tpu.memory_space<semaphore_mem>>
      %dma_start3A = arith.constant 0 : i32
      %dma_start3A_57 = arith.constant 0 : i32
      %dma_start3A_58 = tpu.memref_slice %arg8[%run_scoped3A, %dma_start3A, %dma_start3A_57] : memref<2x96x128xf32, #tpu.memory_space<vmem>> -> memref<1x96x128xf32, #tpu.memory_space<vmem>>
      %dma_start3A_59 = tpu.memref_squeeze %dma_start3A_58 : memref<1x96x128xf32, #tpu.memory_space<vmem>> -> memref<96x128xf32, #tpu.memory_space<vmem>>
      %dma_start3A_60 = arith.constant 0 : i32
      %dma_start3A_61 = tpu.memref_slice %arg17[%add3A_12, %dma_start3A_60] : memref<5120x128xf32, #tpu.memory_space<vmem_shared>> -> memref<96x128xf32, #tpu.memory_space<vmem_shared>>
      %dma_start3A_62 = arith.constant 0 : i32
      %dma_start3A_63 = tpu.memref_slice %arg17[%add3A_12, %dma_start3A_62] : memref<5120x128xf32, #tpu.memory_space<vmem_shared>> -> memref<96x128xf32, #tpu.memory_space<vmem_shared>>
      %dma_start3A_64 = arith.constant 0 : i32
      %dma_start3A_65 = arith.constant 0 : i32
      %dma_start3A_66 = tpu.memref_slice %arg8[%run_scoped3A, %dma_start3A_64, %dma_start3A_65] : memref<2x96x128xf32, #tpu.memory_space<vmem>> -> memref<1x96x128xf32, #tpu.memory_space<vmem>>
      %dma_start3A_67 = tpu.memref_squeeze %dma_start3A_66 : memref<1x96x128xf32, #tpu.memory_space<vmem>> -> memref<96x128xf32, #tpu.memory_space<vmem>>
      tpu.enqueue_dma source(%dma_start3A_67 : memref<96x128xf32, #tpu.memory_space<vmem>>) target(%dma_start3A_63 : memref<96x128xf32, #tpu.memory_space<vmem_shared>>) target_semaphore(%run_scoped3A_56 : memref<!tpu.dma_semaphore, #tpu.memory_space<semaphore_mem>>)
      %dma_wait3A = arith.constant 0 : i32
      %dma_wait3A_68 = arith.constant 0 : i32
      %dma_wait3A_69 = tpu.memref_slice %arg8[%run_scoped3A, %dma_wait3A, %dma_wait3A_68] : memref<2x96x128xf32, #tpu.memory_space<vmem>> -> memref<1x96x128xf32, #tpu.memory_space<vmem>>
      %dma_wait3A_70 = tpu.memref_squeeze %dma_wait3A_69 : memref<1x96x128xf32, #tpu.memory_space<vmem>> -> memref<96x128xf32, #tpu.memory_space<vmem>>
      %dma_wait3A_71 = arith.constant 0 : i32
      %dma_wait3A_72 = tpu.memref_slice %arg17[%add3A_12, %dma_wait3A_71] : memref<5120x128xf32, #tpu.memory_space<vmem_shared>> -> memref<96x128xf32, #tpu.memory_space<vmem_shared>>
      %dma_wait3A_73 = arith.constant 0 : i32
      %dma_wait3A_74 = tpu.memref_slice %arg17[%add3A_12, %dma_wait3A_73] : memref<5120x128xf32, #tpu.memory_space<vmem_shared>> -> memref<96x128xf32, #tpu.memory_space<vmem_shared>>
      %dma_wait3A_75 = arith.constant 0 : i32
      %dma_wait3A_76 = arith.constant 0 : i32
      %dma_wait3A_77 = tpu.memref_slice %arg8[%run_scoped3A, %dma_wait3A_75, %dma_wait3A_76] : memref<2x96x128xf32, #tpu.memory_space<vmem>> -> memref<1x96x128xf32, #tpu.memory_space<vmem>>
      %dma_wait3A_78 = tpu.memref_squeeze %dma_wait3A_77 : memref<1x96x128xf32, #tpu.memory_space<vmem>> -> memref<96x128xf32, #tpu.memory_space<vmem>>
      tpu.wait_dma2 semaphore(%run_scoped3A_56 : memref<!tpu.dma_semaphore, #tpu.memory_space<semaphore_mem>>) src(%dma_wait3A_78 : memref<96x128xf32, #tpu.memory_space<vmem>>) dst(%dma_wait3A_74 : memref<96x128xf32, #tpu.memory_space<vmem_shared>>)
      tpu.yield
    }) : () -> ()
    %add3A_13 = arith.constant 0 : i32
    %add3A_14 = arith.addi %mul3A_2, %add3A_13 : i32
    "tpu.region"() ({
      %run_scoped3A_56 = tpu.sem_alloc : memref<!tpu.dma_semaphore, #tpu.memory_space<semaphore_mem>>
      %dma_start3A = arith.constant 0 : i32
      %dma_start3A_57 = tpu.memref_slice %arg18[%add3A_14, %dma_start3A] : memref<5120x128xf32, #tpu.memory_space<vmem_shared>> -> memref<96x128xf32, #tpu.memory_space<vmem_shared>>
      %dma_start3A_58 = arith.constant 0 : i32
      %dma_start3A_59 = tpu.memref_slice %arg18[%add3A_14, %dma_start3A_58] : memref<5120x128xf32, #tpu.memory_space<vmem_shared>> -> memref<96x128xf32, #tpu.memory_space<vmem_shared>>
      tpu.enqueue_dma source(%arg12 : memref<96x128xf32, #tpu.memory_space<vmem>>) target(%dma_start3A_59 : memref<96x128xf32, #tpu.memory_space<vmem_shared>>) target_semaphore(%run_scoped3A_56 : memref<!tpu.dma_semaphore, #tpu.memory_space<semaphore_mem>>)
      %dma_wait3A = arith.constant 0 : i32
      %dma_wait3A_60 = tpu.memref_slice %arg18[%add3A_14, %dma_wait3A] : memref<5120x128xf32, #tpu.memory_space<vmem_shared>> -> memref<96x128xf32, #tpu.memory_space<vmem_shared>>
      %dma_wait3A_61 = arith.constant 0 : i32
      %dma_wait3A_62 = tpu.memref_slice %arg18[%add3A_14, %dma_wait3A_61] : memref<5120x128xf32, #tpu.memory_space<vmem_shared>> -> memref<96x128xf32, #tpu.memory_space<vmem_shared>>
      tpu.wait_dma2 semaphore(%run_scoped3A_56 : memref<!tpu.dma_semaphore, #tpu.memory_space<semaphore_mem>>) src(%arg12 : memref<96x128xf32, #tpu.memory_space<vmem>>) dst(%dma_wait3A_62 : memref<96x128xf32, #tpu.memory_space<vmem_shared>>)
      tpu.yield
    }) : () -> ()
    %add3A_15 = arith.constant 96 : i32
    %add3A_16 = arith.addi %mul3A_2, %add3A_15 : i32
    %run_scoped3A_17 = arith.constant 0 : i32
    "tpu.region"() ({
      %run_scoped3A_56 = tpu.sem_alloc : memref<!tpu.dma_semaphore, #tpu.memory_space<semaphore_mem>>
      %dma_start3A = arith.constant 0 : i32
      %dma_start3A_57 = arith.constant 0 : i32
      %dma_start3A_58 = tpu.memref_slice %arg8[%run_scoped3A_17, %dma_start3A, %dma_start3A_57] : memref<2x96x128xf32, #tpu.memory_space<vmem>> -> memref<1x96x128xf32, #tpu.memory_space<vmem>>
      %dma_start3A_59 = tpu.memref_squeeze %dma_start3A_58 : memref<1x96x128xf32, #tpu.memory_space<vmem>> -> memref<96x128xf32, #tpu.memory_space<vmem>>
      %dma_start3A_60 = arith.constant 0 : i32
      %dma_start3A_61 = tpu.memref_slice %arg17[%add3A_16, %dma_start3A_60] : memref<5120x128xf32, #tpu.memory_space<vmem_shared>> -> memref<96x128xf32, #tpu.memory_space<vmem_shared>>
      %dma_start3A_62 = arith.constant 0 : i32
      %dma_start3A_63 = tpu.memref_slice %arg17[%add3A_16, %dma_start3A_62] : memref<5120x128xf32, #tpu.memory_space<vmem_shared>> -> memref<96x128xf32, #tpu.memory_space<vmem_shared>>
      %dma_start3A_64 = arith.constant 0 : i32
      %dma_start3A_65 = arith.constant 0 : i32
      %dma_start3A_66 = tpu.memref_slice %arg8[%run_scoped3A_17, %dma_start3A_64, %dma_start3A_65] : memref<2x96x128xf32, #tpu.memory_space<vmem>> -> memref<1x96x128xf32, #tpu.memory_space<vmem>>
      %dma_start3A_67 = tpu.memref_squeeze %dma_start3A_66 : memref<1x96x128xf32, #tpu.memory_space<vmem>> -> memref<96x128xf32, #tpu.memory_space<vmem>>
      tpu.enqueue_dma source(%dma_start3A_67 : memref<96x128xf32, #tpu.memory_space<vmem>>) target(%dma_start3A_63 : memref<96x128xf32, #tpu.memory_space<vmem_shared>>) target_semaphore(%run_scoped3A_56 : memref<!tpu.dma_semaphore, #tpu.memory_space<semaphore_mem>>)
      %dma_wait3A = arith.constant 0 : i32
      %dma_wait3A_68 = arith.constant 0 : i32
      %dma_wait3A_69 = tpu.memref_slice %arg8[%run_scoped3A_17, %dma_wait3A, %dma_wait3A_68] : memref<2x96x128xf32, #tpu.memory_space<vmem>> -> memref<1x96x128xf32, #tpu.memory_space<vmem>>
      %dma_wait3A_70 = tpu.memref_squeeze %dma_wait3A_69 : memref<1x96x128xf32, #tpu.memory_space<vmem>> -> memref<96x128xf32, #tpu.memory_space<vmem>>
      %dma_wait3A_71 = arith.constant 0 : i32
      %dma_wait3A_72 = tpu.memref_slice %arg17[%add3A_16, %dma_wait3A_71] : memref<5120x128xf32, #tpu.memory_space<vmem_shared>> -> memref<96x128xf32, #tpu.memory_space<vmem_shared>>
      %dma_wait3A_73 = arith.constant 0 : i32
      %dma_wait3A_74 = tpu.memref_slice %arg17[%add3A_16, %dma_wait3A_73] : memref<5120x128xf32, #tpu.memory_space<vmem_shared>> -> memref<96x128xf32, #tpu.memory_space<vmem_shared>>
      %dma_wait3A_75 = arith.constant 0 : i32
      %dma_wait3A_76 = arith.constant 0 : i32
      %dma_wait3A_77 = tpu.memref_slice %arg8[%run_scoped3A_17, %dma_wait3A_75, %dma_wait3A_76] : memref<2x96x128xf32, #tpu.memory_space<vmem>> -> memref<1x96x128xf32, #tpu.memory_space<vmem>>
      %dma_wait3A_78 = tpu.memref_squeeze %dma_wait3A_77 : memref<1x96x128xf32, #tpu.memory_space<vmem>> -> memref<96x128xf32, #tpu.memory_space<vmem>>
      tpu.wait_dma2 semaphore(%run_scoped3A_56 : memref<!tpu.dma_semaphore, #tpu.memory_space<semaphore_mem>>) src(%dma_wait3A_78 : memref<96x128xf32, #tpu.memory_space<vmem>>) dst(%dma_wait3A_74 : memref<96x128xf32, #tpu.memory_space<vmem_shared>>)
      tpu.yield
    }) : () -> ()
    %add3A_18 = arith.constant 96 : i32
    %add3A_19 = arith.addi %mul3A_2, %add3A_18 : i32
    "tpu.region"() ({
      %run_scoped3A_56 = tpu.sem_alloc : memref<!tpu.dma_semaphore, #tpu.memory_space<semaphore_mem>>
      %dma_start3A = arith.constant 0 : i32
      %dma_start3A_57 = tpu.memref_slice %arg18[%add3A_19, %dma_start3A] : memref<5120x128xf32, #tpu.memory_space<vmem_shared>> -> memref<96x128xf32, #tpu.memory_space<vmem_shared>>
      %dma_start3A_58 = arith.constant 0 : i32
      %dma_start3A_59 = tpu.memref_slice %arg18[%add3A_19, %dma_start3A_58] : memref<5120x128xf32, #tpu.memory_space<vmem_shared>> -> memref<96x128xf32, #tpu.memory_space<vmem_shared>>
      tpu.enqueue_dma source(%arg12 : memref<96x128xf32, #tpu.memory_space<vmem>>) target(%dma_start3A_59 : memref<96x128xf32, #tpu.memory_space<vmem_shared>>) target_semaphore(%run_scoped3A_56 : memref<!tpu.dma_semaphore, #tpu.memory_space<semaphore_mem>>)
      %dma_wait3A = arith.constant 0 : i32
      %dma_wait3A_60 = tpu.memref_slice %arg18[%add3A_19, %dma_wait3A] : memref<5120x128xf32, #tpu.memory_space<vmem_shared>> -> memref<96x128xf32, #tpu.memory_space<vmem_shared>>
      %dma_wait3A_61 = arith.constant 0 : i32
      %dma_wait3A_62 = tpu.memref_slice %arg18[%add3A_19, %dma_wait3A_61] : memref<5120x128xf32, #tpu.memory_space<vmem_shared>> -> memref<96x128xf32, #tpu.memory_space<vmem_shared>>
      tpu.wait_dma2 semaphore(%run_scoped3A_56 : memref<!tpu.dma_semaphore, #tpu.memory_space<semaphore_mem>>) src(%arg12 : memref<96x128xf32, #tpu.memory_space<vmem>>) dst(%dma_wait3A_62 : memref<96x128xf32, #tpu.memory_space<vmem_shared>>)
      tpu.yield
    }) : () -> ()
    %add3A_20 = arith.constant 192 : i32
    %add3A_21 = arith.addi %mul3A_2, %add3A_20 : i32
    %run_scoped3A_22 = arith.constant 0 : i32
    "tpu.region"() ({
      %run_scoped3A_56 = tpu.sem_alloc : memref<!tpu.dma_semaphore, #tpu.memory_space<semaphore_mem>>
      %dma_start3A = arith.constant 0 : i32
      %dma_start3A_57 = arith.constant 0 : i32
      %dma_start3A_58 = tpu.memref_slice %arg8[%run_scoped3A_22, %dma_start3A, %dma_start3A_57] : memref<2x96x128xf32, #tpu.memory_space<vmem>> -> memref<1x96x128xf32, #tpu.memory_space<vmem>>
      %dma_start3A_59 = tpu.memref_squeeze %dma_start3A_58 : memref<1x96x128xf32, #tpu.memory_space<vmem>> -> memref<96x128xf32, #tpu.memory_space<vmem>>
      %dma_start3A_60 = arith.constant 0 : i32
      %dma_start3A_61 = tpu.memref_slice %arg17[%add3A_21, %dma_start3A_60] : memref<5120x128xf32, #tpu.memory_space<vmem_shared>> -> memref<96x128xf32, #tpu.memory_space<vmem_shared>>
      %dma_start3A_62 = arith.constant 0 : i32
      %dma_start3A_63 = tpu.memref_slice %arg17[%add3A_21, %dma_start3A_62] : memref<5120x128xf32, #tpu.memory_space<vmem_shared>> -> memref<96x128xf32, #tpu.memory_space<vmem_shared>>
      %dma_start3A_64 = arith.constant 0 : i32
      %dma_start3A_65 = arith.constant 0 : i32
      %dma_start3A_66 = tpu.memref_slice %arg8[%run_scoped3A_22, %dma_start3A_64, %dma_start3A_65] : memref<2x96x128xf32, #tpu.memory_space<vmem>> -> memref<1x96x128xf32, #tpu.memory_space<vmem>>
      %dma_start3A_67 = tpu.memref_squeeze %dma_start3A_66 : memref<1x96x128xf32, #tpu.memory_space<vmem>> -> memref<96x128xf32, #tpu.memory_space<vmem>>
      tpu.enqueue_dma source(%dma_start3A_67 : memref<96x128xf32, #tpu.memory_space<vmem>>) target(%dma_start3A_63 : memref<96x128xf32, #tpu.memory_space<vmem_shared>>) target_semaphore(%run_scoped3A_56 : memref<!tpu.dma_semaphore, #tpu.memory_space<semaphore_mem>>)
      %dma_wait3A = arith.constant 0 : i32
      %dma_wait3A_68 = arith.constant 0 : i32
      %dma_wait3A_69 = tpu.memref_slice %arg8[%run_scoped3A_22, %dma_wait3A, %dma_wait3A_68] : memref<2x96x128xf32, #tpu.memory_space<vmem>> -> memref<1x96x128xf32, #tpu.memory_space<vmem>>
      %dma_wait3A_70 = tpu.memref_squeeze %dma_wait3A_69 : memref<1x96x128xf32, #tpu.memory_space<vmem>> -> memref<96x128xf32, #tpu.memory_space<vmem>>
      %dma_wait3A_71 = arith.constant 0 : i32
      %dma_wait3A_72 = tpu.memref_slice %arg17[%add3A_21, %dma_wait3A_71] : memref<5120x128xf32, #tpu.memory_space<vmem_shared>> -> memref<96x128xf32, #tpu.memory_space<vmem_shared>>
      %dma_wait3A_73 = arith.constant 0 : i32
      %dma_wait3A_74 = tpu.memref_slice %arg17[%add3A_21, %dma_wait3A_73] : memref<5120x128xf32, #tpu.memory_space<vmem_shared>> -> memref<96x128xf32, #tpu.memory_space<vmem_shared>>
      %dma_wait3A_75 = arith.constant 0 : i32
      %dma_wait3A_76 = arith.constant 0 : i32
      %dma_wait3A_77 = tpu.memref_slice %arg8[%run_scoped3A_22, %dma_wait3A_75, %dma_wait3A_76] : memref<2x96x128xf32, #tpu.memory_space<vmem>> -> memref<1x96x128xf32, #tpu.memory_space<vmem>>
      %dma_wait3A_78 = tpu.memref_squeeze %dma_wait3A_77 : memref<1x96x128xf32, #tpu.memory_space<vmem>> -> memref<96x128xf32, #tpu.memory_space<vmem>>
      tpu.wait_dma2 semaphore(%run_scoped3A_56 : memref<!tpu.dma_semaphore, #tpu.memory_space<semaphore_mem>>) src(%dma_wait3A_78 : memref<96x128xf32, #tpu.memory_space<vmem>>) dst(%dma_wait3A_74 : memref<96x128xf32, #tpu.memory_space<vmem_shared>>)
      tpu.yield
    }) : () -> ()
    %add3A_23 = arith.constant 192 : i32
    %add3A_24 = arith.addi %mul3A_2, %add3A_23 : i32
    "tpu.region"() ({
      %run_scoped3A_56 = tpu.sem_alloc : memref<!tpu.dma_semaphore, #tpu.memory_space<semaphore_mem>>
      %dma_start3A = arith.constant 0 : i32
      %dma_start3A_57 = tpu.memref_slice %arg18[%add3A_24, %dma_start3A] : memref<5120x128xf32, #tpu.memory_space<vmem_shared>> -> memref<96x128xf32, #tpu.memory_space<vmem_shared>>
      %dma_start3A_58 = arith.constant 0 : i32
      %dma_start3A_59 = tpu.memref_slice %arg18[%add3A_24, %dma_start3A_58] : memref<5120x128xf32, #tpu.memory_space<vmem_shared>> -> memref<96x128xf32, #tpu.memory_space<vmem_shared>>
      tpu.enqueue_dma source(%arg12 : memref<96x128xf32, #tpu.memory_space<vmem>>) target(%dma_start3A_59 : memref<96x128xf32, #tpu.memory_space<vmem_shared>>) target_semaphore(%run_scoped3A_56 : memref<!tpu.dma_semaphore, #tpu.memory_space<semaphore_mem>>)
      %dma_wait3A = arith.constant 0 : i32
      %dma_wait3A_60 = tpu.memref_slice %arg18[%add3A_24, %dma_wait3A] : memref<5120x128xf32, #tpu.memory_space<vmem_shared>> -> memref<96x128xf32, #tpu.memory_space<vmem_shared>>
      %dma_wait3A_61 = arith.constant 0 : i32
      %dma_wait3A_62 = tpu.memref_slice %arg18[%add3A_24, %dma_wait3A_61] : memref<5120x128xf32, #tpu.memory_space<vmem_shared>> -> memref<96x128xf32, #tpu.memory_space<vmem_shared>>
      tpu.wait_dma2 semaphore(%run_scoped3A_56 : memref<!tpu.dma_semaphore, #tpu.memory_space<semaphore_mem>>) src(%arg12 : memref<96x128xf32, #tpu.memory_space<vmem>>) dst(%dma_wait3A_62 : memref<96x128xf32, #tpu.memory_space<vmem_shared>>)
      tpu.yield
    }) : () -> ()
    %add3A_25 = arith.constant 288 : i32
    %add3A_26 = arith.addi %mul3A_2, %add3A_25 : i32
    %run_scoped3A_27 = arith.constant 0 : i32
    "tpu.region"() ({
      %run_scoped3A_56 = tpu.sem_alloc : memref<!tpu.dma_semaphore, #tpu.memory_space<semaphore_mem>>
      %dma_start3A = arith.constant 0 : i32
      %dma_start3A_57 = arith.constant 0 : i32
      %dma_start3A_58 = tpu.memref_slice %arg8[%run_scoped3A_27, %dma_start3A, %dma_start3A_57] : memref<2x96x128xf32, #tpu.memory_space<vmem>> -> memref<1x32x128xf32, #tpu.memory_space<vmem>>
      %dma_start3A_59 = tpu.memref_squeeze %dma_start3A_58 : memref<1x32x128xf32, #tpu.memory_space<vmem>> -> memref<32x128xf32, #tpu.memory_space<vmem>>
      %dma_start3A_60 = arith.constant 0 : i32
      %dma_start3A_61 = tpu.memref_slice %arg17[%add3A_26, %dma_start3A_60] : memref<5120x128xf32, #tpu.memory_space<vmem_shared>> -> memref<32x128xf32, #tpu.memory_space<vmem_shared>>
      %dma_start3A_62 = arith.constant 0 : i32
      %dma_start3A_63 = tpu.memref_slice %arg17[%add3A_26, %dma_start3A_62] : memref<5120x128xf32, #tpu.memory_space<vmem_shared>> -> memref<32x128xf32, #tpu.memory_space<vmem_shared>>
      %dma_start3A_64 = arith.constant 0 : i32
      %dma_start3A_65 = arith.constant 0 : i32
      %dma_start3A_66 = tpu.memref_slice %arg8[%run_scoped3A_27, %dma_start3A_64, %dma_start3A_65] : memref<2x96x128xf32, #tpu.memory_space<vmem>> -> memref<1x32x128xf32, #tpu.memory_space<vmem>>
      %dma_start3A_67 = tpu.memref_squeeze %dma_start3A_66 : memref<1x32x128xf32, #tpu.memory_space<vmem>> -> memref<32x128xf32, #tpu.memory_space<vmem>>
      tpu.enqueue_dma source(%dma_start3A_67 : memref<32x128xf32, #tpu.memory_space<vmem>>) target(%dma_start3A_63 : memref<32x128xf32, #tpu.memory_space<vmem_shared>>) target_semaphore(%run_scoped3A_56 : memref<!tpu.dma_semaphore, #tpu.memory_space<semaphore_mem>>)
      %dma_wait3A = arith.constant 0 : i32
      %dma_wait3A_68 = arith.constant 0 : i32
      %dma_wait3A_69 = tpu.memref_slice %arg8[%run_scoped3A_27, %dma_wait3A, %dma_wait3A_68] : memref<2x96x128xf32, #tpu.memory_space<vmem>> -> memref<1x32x128xf32, #tpu.memory_space<vmem>>
      %dma_wait3A_70 = tpu.memref_squeeze %dma_wait3A_69 : memref<1x32x128xf32, #tpu.memory_space<vmem>> -> memref<32x128xf32, #tpu.memory_space<vmem>>
      %dma_wait3A_71 = arith.constant 0 : i32
      %dma_wait3A_72 = tpu.memref_slice %arg17[%add3A_26, %dma_wait3A_71] : memref<5120x128xf32, #tpu.memory_space<vmem_shared>> -> memref<32x128xf32, #tpu.memory_space<vmem_shared>>
      %dma_wait3A_73 = arith.constant 0 : i32
      %dma_wait3A_74 = tpu.memref_slice %arg17[%add3A_26, %dma_wait3A_73] : memref<5120x128xf32, #tpu.memory_space<vmem_shared>> -> memref<32x128xf32, #tpu.memory_space<vmem_shared>>
      %dma_wait3A_75 = arith.constant 0 : i32
      %dma_wait3A_76 = arith.constant 0 : i32
      %dma_wait3A_77 = tpu.memref_slice %arg8[%run_scoped3A_27, %dma_wait3A_75, %dma_wait3A_76] : memref<2x96x128xf32, #tpu.memory_space<vmem>> -> memref<1x32x128xf32, #tpu.memory_space<vmem>>
      %dma_wait3A_78 = tpu.memref_squeeze %dma_wait3A_77 : memref<1x32x128xf32, #tpu.memory_space<vmem>> -> memref<32x128xf32, #tpu.memory_space<vmem>>
      tpu.wait_dma2 semaphore(%run_scoped3A_56 : memref<!tpu.dma_semaphore, #tpu.memory_space<semaphore_mem>>) src(%dma_wait3A_78 : memref<32x128xf32, #tpu.memory_space<vmem>>) dst(%dma_wait3A_74 : memref<32x128xf32, #tpu.memory_space<vmem_shared>>)
      tpu.yield
    }) : () -> ()
    %add3A_28 = arith.constant 288 : i32
    %add3A_29 = arith.addi %mul3A_2, %add3A_28 : i32
    "tpu.region"() ({
      %run_scoped3A_56 = tpu.sem_alloc : memref<!tpu.dma_semaphore, #tpu.memory_space<semaphore_mem>>
      %dma_start3A = arith.constant 0 : i32
      %dma_start3A_57 = arith.constant 0 : i32
      %dma_start3A_58 = tpu.memref_slice %arg12[%dma_start3A, %dma_start3A_57] : memref<96x128xf32, #tpu.memory_space<vmem>> -> memref<32x128xf32, #tpu.memory_space<vmem>>
      %dma_start3A_59 = arith.constant 0 : i32
      %dma_start3A_60 = tpu.memref_slice %arg18[%add3A_29, %dma_start3A_59] : memref<5120x128xf32, #tpu.memory_space<vmem_shared>> -> memref<32x128xf32, #tpu.memory_space<vmem_shared>>
      %dma_start3A_61 = arith.constant 0 : i32
      %dma_start3A_62 = tpu.memref_slice %arg18[%add3A_29, %dma_start3A_61] : memref<5120x128xf32, #tpu.memory_space<vmem_shared>> -> memref<32x128xf32, #tpu.memory_space<vmem_shared>>
      %dma_start3A_63 = arith.constant 0 : i32
      %dma_start3A_64 = arith.constant 0 : i32
      %dma_start3A_65 = tpu.memref_slice %arg12[%dma_start3A_63, %dma_start3A_64] : memref<96x128xf32, #tpu.memory_space<vmem>> -> memref<32x128xf32, #tpu.memory_space<vmem>>
      tpu.enqueue_dma source(%dma_start3A_65 : memref<32x128xf32, #tpu.memory_space<vmem>>) target(%dma_start3A_62 : memref<32x128xf32, #tpu.memory_space<vmem_shared>>) target_semaphore(%run_scoped3A_56 : memref<!tpu.dma_semaphore, #tpu.memory_space<semaphore_mem>>)
      %dma_wait3A = arith.constant 0 : i32
      %dma_wait3A_66 = arith.constant 0 : i32
      %dma_wait3A_67 = tpu.memref_slice %arg12[%dma_wait3A, %dma_wait3A_66] : memref<96x128xf32, #tpu.memory_space<vmem>> -> memref<32x128xf32, #tpu.memory_space<vmem>>
      %dma_wait3A_68 = arith.constant 0 : i32
      %dma_wait3A_69 = tpu.memref_slice %arg18[%add3A_29, %dma_wait3A_68] : memref<5120x128xf32, #tpu.memory_space<vmem_shared>> -> memref<32x128xf32, #tpu.memory_space<vmem_shared>>
      %dma_wait3A_70 = arith.constant 0 : i32
      %dma_wait3A_71 = tpu.memref_slice %arg18[%add3A_29, %dma_wait3A_70] : memref<5120x128xf32, #tpu.memory_space<vmem_shared>> -> memref<32x128xf32, #tpu.memory_space<vmem_shared>>
      %dma_wait3A_72 = arith.constant 0 : i32
      %dma_wait3A_73 = arith.constant 0 : i32
      %dma_wait3A_74 = tpu.memref_slice %arg12[%dma_wait3A_72, %dma_wait3A_73] : memref<96x128xf32, #tpu.memory_space<vmem>> -> memref<32x128xf32, #tpu.memory_space<vmem>>
      tpu.wait_dma2 semaphore(%run_scoped3A_56 : memref<!tpu.dma_semaphore, #tpu.memory_space<semaphore_mem>>) src(%dma_wait3A_74 : memref<32x128xf32, #tpu.memory_space<vmem>>) dst(%dma_wait3A_71 : memref<32x128xf32, #tpu.memory_space<vmem_shared>>)
      tpu.yield
    }) : () -> ()
    %scan3A_30 = arith.constant 0 : i32
    %scan3A_31 = arith.constant 0 : i32
    %scan3A_32 = arith.constant 96 : i32
    %scan3A_33 = arith.addi %scan3A_31, %scan3A_32 : i32
    %scan3A_34 = arith.constant 1 : i32
    scf.for %scan3A_56 = %scan3A_31 to %scan3A_33 step %scan3A_34  : i32 {
      %swap3A = arith.index_cast %scan3A_56 : i32 to index
      %swap3A_57 = arith.constant 0 : index
      %swap3A_58 = tpu.vector_load %arg12[%swap3A, %swap3A_57] {strides = array<i32>} : memref<96x128xf32, #tpu.memory_space<vmem>>, vector<1x16xf32>,
      %swap3A_59 = vector.shape_cast %swap3A_58 : vector<1x16xf32> to vector<16xf32>
      %swap3A_60 = vector.shape_cast %broadcast_in_dim3A_5 : vector<16xf32> to vector<1x16xf32>
      tpu.vector_store %arg12[%swap3A, %swap3A_57], %swap3A_60 {strides = array<i32>} : memref<96x128xf32, #tpu.memory_space<vmem>>, vector<1x16xf32>,
      %swap3A_61 = arith.index_cast %scan3A_56 : i32 to index
      %swap3A_62 = arith.constant 16 : index
      %swap3A_63 = tpu.vector_load %arg12[%swap3A_61, %swap3A_62] {strides = array<i32>} : memref<96x128xf32, #tpu.memory_space<vmem>>, vector<1x16xf32>,
      %swap3A_64 = vector.shape_cast %swap3A_63 : vector<1x16xf32> to vector<16xf32>
      %swap3A_65 = vector.shape_cast %broadcast_in_dim3A_5 : vector<16xf32> to vector<1x16xf32>
      tpu.vector_store %arg12[%swap3A_61, %swap3A_62], %swap3A_65 {strides = array<i32>} : memref<96x128xf32, #tpu.memory_space<vmem>>, vector<1x16xf32>,
      %swap3A_66 = arith.index_cast %scan3A_56 : i32 to index
      %swap3A_67 = arith.constant 32 : index
      %swap3A_68 = tpu.vector_load %arg12[%swap3A_66, %swap3A_67] {strides = array<i32>} : memref<96x128xf32, #tpu.memory_space<vmem>>, vector<1x16xf32>,
      %swap3A_69 = vector.shape_cast %swap3A_68 : vector<1x16xf32> to vector<16xf32>
      %swap3A_70 = vector.shape_cast %broadcast_in_dim3A_5 : vector<16xf32> to vector<1x16xf32>
      tpu.vector_store %arg12[%swap3A_66, %swap3A_67], %swap3A_70 {strides = array<i32>} : memref<96x128xf32, #tpu.memory_space<vmem>>, vector<1x16xf32>,
      %swap3A_71 = arith.index_cast %scan3A_56 : i32 to index
      %swap3A_72 = arith.constant 48 : index
      %swap3A_73 = tpu.vector_load %arg12[%swap3A_71, %swap3A_72] {strides = array<i32>} : memref<96x128xf32, #tpu.memory_space<vmem>>, vector<1x16xf32>,
      %swap3A_74 = vector.shape_cast %swap3A_73 : vector<1x16xf32> to vector<16xf32>
      %swap3A_75 = vector.shape_cast %broadcast_in_dim3A_5 : vector<16xf32> to vector<1x16xf32>
      tpu.vector_store %arg12[%swap3A_71, %swap3A_72], %swap3A_75 {strides = array<i32>} : memref<96x128xf32, #tpu.memory_space<vmem>>, vector<1x16xf32>,
      %swap3A_76 = arith.index_cast %scan3A_56 : i32 to index
      %swap3A_77 = arith.constant 64 : index
      %swap3A_78 = tpu.vector_load %arg12[%swap3A_76, %swap3A_77] {strides = array<i32>} : memref<96x128xf32, #tpu.memory_space<vmem>>, vector<1x16xf32>,
      %swap3A_79 = vector.shape_cast %swap3A_78 : vector<1x16xf32> to vector<16xf32>
      %swap3A_80 = vector.shape_cast %broadcast_in_dim3A_5 : vector<16xf32> to vector<1x16xf32>
      tpu.vector_store %arg12[%swap3A_76, %swap3A_77], %swap3A_80 {strides = array<i32>} : memref<96x128xf32, #tpu.memory_space<vmem>>, vector<1x16xf32>,
      %swap3A_81 = arith.index_cast %scan3A_56 : i32 to index
      %swap3A_82 = arith.constant 80 : index
      %swap3A_83 = tpu.vector_load %arg12[%swap3A_81, %swap3A_82] {strides = array<i32>} : memref<96x128xf32, #tpu.memory_space<vmem>>, vector<1x16xf32>,
      %swap3A_84 = vector.shape_cast %swap3A_83 : vector<1x16xf32> to vector<16xf32>
      %swap3A_85 = vector.shape_cast %broadcast_in_dim3A_5 : vector<16xf32> to vector<1x16xf32>
      tpu.vector_store %arg12[%swap3A_81, %swap3A_82], %swap3A_85 {strides = array<i32>} : memref<96x128xf32, #tpu.memory_space<vmem>>, vector<1x16xf32>,
      %swap3A_86 = arith.index_cast %scan3A_56 : i32 to index
      %swap3A_87 = arith.constant 96 : index
      %swap3A_88 = tpu.vector_load %arg12[%swap3A_86, %swap3A_87] {strides = array<i32>} : memref<96x128xf32, #tpu.memory_space<vmem>>, vector<1x16xf32>,
      %swap3A_89 = vector.shape_cast %swap3A_88 : vector<1x16xf32> to vector<16xf32>
      %swap3A_90 = vector.shape_cast %broadcast_in_dim3A_5 : vector<16xf32> to vector<1x16xf32>
      tpu.vector_store %arg12[%swap3A_86, %swap3A_87], %swap3A_90 {strides = array<i32>} : memref<96x128xf32, #tpu.memory_space<vmem>>, vector<1x16xf32>,
      %swap3A_91 = arith.index_cast %scan3A_56 : i32 to index
      %swap3A_92 = arith.constant 112 : index
      %swap3A_93 = tpu.vector_load %arg12[%swap3A_91, %swap3A_92] {strides = array<i32>} : memref<96x128xf32, #tpu.memory_space<vmem>>, vector<1x16xf32>,
      %swap3A_94 = vector.shape_cast %swap3A_93 : vector<1x16xf32> to vector<16xf32>
      %swap3A_95 = vector.shape_cast %broadcast_in_dim3A_5 : vector<16xf32> to vector<1x16xf32>
      tpu.vector_store %arg12[%swap3A_91, %swap3A_92], %swap3A_95 {strides = array<i32>} : memref<96x128xf32, #tpu.memory_space<vmem>>, vector<1x16xf32>,
    }
    %scan3A_35 = arith.constant 96 : i32
    %barrier3A = arith.constant 0 : index
    tpu.barrier barrier_id(%barrier3A)
    %add3A_36 = arith.constant 0 : i32
    %add3A_37 = arith.addi %add3A, %add3A_36 : i32
    %lt3A = arith.constant 1041 : i32
    %lt3A_38 = arith.cmpi slt, %add3A_37, %lt3A : i32
    %convert_element_type3A = arith.extui %lt3A_38 : i1 to i32
    %cond3A = arith.constant 0 : i32
    %cond3A_39 = arith.cmpi ne, %convert_element_type3A, %cond3A : i32
    scf.if %cond3A_39 {
      %mul3A_56 = arith.constant 96 : i32
      %mul3A_57 = arith.muli %add3A_37, %mul3A_56 : i32
      %dma_start3A = arith.constant 0 : i32
      %dma_start3A_58 = arith.constant 0 : i32
      %dma_start3A_59 = arith.constant 0 : i32
      %dma_start3A_60 = tpu.memref_slice %arg8[%dma_start3A, %dma_start3A_58, %dma_start3A_59] : memref<2x96x128xf32, #tpu.memory_space<vmem>> -> memref<1x96x128xf32, #tpu.memory_space<vmem>>
      %dma_start3A_61 = tpu.memref_squeeze %dma_start3A_60 : memref<1x96x128xf32, #tpu.memory_space<vmem>> -> memref<96x128xf32, #tpu.memory_space<vmem>>
      %dma_start3A_62 = arith.constant 0 : i32
      %dma_start3A_63 = tpu.memref_slice %arg2[%mul3A_57, %dma_start3A_62] : memref<100000x128xf32, #tpu.memory_space<hbm>> -> memref<96x128xf32, #tpu.memory_space<hbm>>
      %dma_start3A_64 = arith.constant 0 : i32
      %dma_start3A_65 = arith.constant 0 : i32
      %dma_start3A_66 = tpu.memref_slice %arg8[%dma_start3A, %dma_start3A_64, %dma_start3A_65] : memref<2x96x128xf32, #tpu.memory_space<vmem>> -> memref<1x96x128xf32, #tpu.memory_space<vmem>>
      %dma_start3A_67 = tpu.memref_squeeze %dma_start3A_66 : memref<1x96x128xf32, #tpu.memory_space<vmem>> -> memref<96x128xf32, #tpu.memory_space<vmem>>
      %dma_start3A_68 = arith.constant 0 : i32
      %dma_start3A_69 = tpu.memref_slice %arg2[%mul3A_57, %dma_start3A_68] : memref<100000x128xf32, #tpu.memory_space<hbm>> -> memref<96x128xf32, #tpu.memory_space<hbm>>
      tpu.enqueue_dma source(%dma_start3A_69 : memref<96x128xf32, #tpu.memory_space<hbm>>) target(%dma_start3A_67 : memref<96x128xf32, #tpu.memory_space<vmem>>) target_semaphore(%arg15 : memref<!tpu.dma_semaphore, #tpu.memory_space<semaphore_mem>>)
      %dma_start3A_70 = arith.constant 0 : i32
      %dma_start3A_71 = arith.constant 0 : i32
      %dma_start3A_72 = tpu.memref_slice %arg9[%dma_start3A_70, %dma_start3A_71] : memref<2x96xi32, #tpu.memory_space<vmem>> -> memref<1x96xi32, #tpu.memory_space<vmem>>
      %dma_start3A_73 = tpu.memref_squeeze %dma_start3A_72 : memref<1x96xi32, #tpu.memory_space<vmem>> -> memref<96xi32, #tpu.memory_space<vmem>>
      %dma_start3A_74 = tpu.memref_slice %arg3[%mul3A_57] : memref<100000xi32, #tpu.memory_space<hbm>> -> memref<96xi32, #tpu.memory_space<hbm>>
      %dma_start3A_75 = arith.constant 0 : i32
      %dma_start3A_76 = tpu.memref_slice %arg9[%dma_start3A_70, %dma_start3A_75] : memref<2x96xi32, #tpu.memory_space<vmem>> -> memref<1x96xi32, #tpu.memory_space<vmem>>
      %dma_start3A_77 = tpu.memref_squeeze %dma_start3A_76 : memref<1x96xi32, #tpu.memory_space<vmem>> -> memref<96xi32, #tpu.memory_space<vmem>>
      %dma_start3A_78 = tpu.memref_slice %arg3[%mul3A_57] : memref<100000xi32, #tpu.memory_space<hbm>> -> memref<96xi32, #tpu.memory_space<hbm>>
      tpu.enqueue_dma source(%dma_start3A_78 : memref<96xi32, #tpu.memory_space<hbm>>) target(%dma_start3A_77 : memref<96xi32, #tpu.memory_space<vmem>>) target_semaphore(%arg16 : memref<!tpu.dma_semaphore, #tpu.memory_space<semaphore_mem>>)
    } else {
    }
    %scan3A_40 = arith.constant 0 : i32
    %scan3A_41 = arith.constant 0 : i32
    %scan3A_42 = arith.constant 17 : i32
    %scan3A_43 = arith.addi %scan3A_41, %scan3A_42 : i32
    %scan3A_44 = arith.constant 1 : i32
    scf.for %scan3A_56 = %scan3A_41 to %scan3A_43 step %scan3A_44  : i32 {
      %mul3A_57 = arith.constant 2 : i32
      %mul3A_58 = arith.muli %mul3A_57, %scan3A_56 : i32
      %add3A_59 = arith.constant 1 : i32
      %add3A_60 = arith.addi %mul3A_58, %add3A_59 : i32
      %mul3A_61 = arith.constant 32 : i32
      %mul3A_62 = arith.muli %add3A_60, %mul3A_61 : i32
      %add3A_63 = arith.addi %add3A, %mul3A_62 : i32
      %lt3A_64 = arith.constant 1041 : i32
      %lt3A_65 = arith.cmpi slt, %add3A_63, %lt3A_64 : i32
      %convert_element_type3A_66 = arith.extui %lt3A_65 : i1 to i32
      %cond3A_67 = arith.constant 0 : i32
      %cond3A_68 = arith.cmpi ne, %convert_element_type3A_66, %cond3A_67 : i32
      scf.if %cond3A_68 {
        %mul3A_97 = arith.constant 96 : i32
        %mul3A_98 = arith.muli %add3A_63, %mul3A_97 : i32
        %dma_start3A = arith.constant 1 : i32
        %dma_start3A_99 = arith.constant 0 : i32
        %dma_start3A_100 = arith.constant 0 : i32
        %dma_start3A_101 = tpu.memref_slice %arg8[%dma_start3A, %dma_start3A_99, %dma_start3A_100] : memref<2x96x128xf32, #tpu.memory_space<vmem>> -> memref<1x96x128xf32, #tpu.memory_space<vmem>>
        %dma_start3A_102 = tpu.memref_squeeze %dma_start3A_101 : memref<1x96x128xf32, #tpu.memory_space<vmem>> -> memref<96x128xf32, #tpu.memory_space<vmem>>
        %dma_start3A_103 = arith.constant 0 : i32
        %dma_start3A_104 = tpu.memref_slice %arg2[%mul3A_98, %dma_start3A_103] : memref<100000x128xf32, #tpu.memory_space<hbm>> -> memref<96x128xf32, #tpu.memory_space<hbm>>
        %dma_start3A_105 = arith.constant 0 : i32
        %dma_start3A_106 = arith.constant 0 : i32
        %dma_start3A_107 = tpu.memref_slice %arg8[%dma_start3A, %dma_start3A_105, %dma_start3A_106] : memref<2x96x128xf32, #tpu.memory_space<vmem>> -> memref<1x96x128xf32, #tpu.memory_space<vmem>>
        %dma_start3A_108 = tpu.memref_squeeze %dma_start3A_107 : memref<1x96x128xf32, #tpu.memory_space<vmem>> -> memref<96x128xf32, #tpu.memory_space<vmem>>
        %dma_start3A_109 = arith.constant 0 : i32
        %dma_start3A_110 = tpu.memref_slice %arg2[%mul3A_98, %dma_start3A_109] : memref<100000x128xf32, #tpu.memory_space<hbm>> -> memref<96x128xf32, #tpu.memory_space<hbm>>
        tpu.enqueue_dma source(%dma_start3A_110 : memref<96x128xf32, #tpu.memory_space<hbm>>) target(%dma_start3A_108 : memref<96x128xf32, #tpu.memory_space<vmem>>) target_semaphore(%arg15 : memref<!tpu.dma_semaphore, #tpu.memory_space<semaphore_mem>>)
        %dma_start3A_111 = arith.constant 1 : i32
        %dma_start3A_112 = arith.constant 0 : i32
        %dma_start3A_113 = tpu.memref_slice %arg9[%dma_start3A_111, %dma_start3A_112] : memref<2x96xi32, #tpu.memory_space<vmem>> -> memref<1x96xi32, #tpu.memory_space<vmem>>
        %dma_start3A_114 = tpu.memref_squeeze %dma_start3A_113 : memref<1x96xi32, #tpu.memory_space<vmem>> -> memref<96xi32, #tpu.memory_space<vmem>>
        %dma_start3A_115 = tpu.memref_slice %arg3[%mul3A_98] : memref<100000xi32, #tpu.memory_space<hbm>> -> memref<96xi32, #tpu.memory_space<hbm>>
        %dma_start3A_116 = arith.constant 0 : i32
        %dma_start3A_117 = tpu.memref_slice %arg9[%dma_start3A_111, %dma_start3A_116] : memref<2x96xi32, #tpu.memory_space<vmem>> -> memref<1x96xi32, #tpu.memory_space<vmem>>
        %dma_start3A_118 = tpu.memref_squeeze %dma_start3A_117 : memref<1x96xi32, #tpu.memory_space<vmem>> -> memref<96xi32, #tpu.memory_space<vmem>>
        %dma_start3A_119 = tpu.memref_slice %arg3[%mul3A_98] : memref<100000xi32, #tpu.memory_space<hbm>> -> memref<96xi32, #tpu.memory_space<hbm>>
        tpu.enqueue_dma source(%dma_start3A_119 : memref<96xi32, #tpu.memory_space<hbm>>) target(%dma_start3A_118 : memref<96xi32, #tpu.memory_space<vmem>>) target_semaphore(%arg16 : memref<!tpu.dma_semaphore, #tpu.memory_space<semaphore_mem>>)
      } else {
      }
      %mul3A_69 = arith.constant 32 : i32
      %mul3A_70 = arith.muli %mul3A_58, %mul3A_69 : i32
      %add3A_71 = arith.addi %add3A, %mul3A_70 : i32
      %lt3A_72 = arith.constant 1041 : i32
      %lt3A_73 = arith.cmpi slt, %add3A_71, %lt3A_72 : i32
      %convert_element_type3A_74 = arith.extui %lt3A_73 : i1 to i32
      %cond3A_75 = arith.constant 0 : i32
      %cond3A_76 = arith.cmpi ne, %convert_element_type3A_74, %cond3A_75 : i32
      scf.if %cond3A_76 {
        %dma_wait3A = arith.constant 0 : i32
        %dma_wait3A_97 = arith.constant 0 : i32
        %dma_wait3A_98 = arith.constant 0 : i32
        %dma_wait3A_99 = tpu.memref_slice %arg8[%dma_wait3A, %dma_wait3A_97, %dma_wait3A_98] : memref<2x96x128xf32, #tpu.memory_space<vmem>> -> memref<1x96x128xf32, #tpu.memory_space<vmem>>
        %dma_wait3A_100 = tpu.memref_squeeze %dma_wait3A_99 : memref<1x96x128xf32, #tpu.memory_space<vmem>> -> memref<96x128xf32, #tpu.memory_space<vmem>>
        %dma_wait3A_101 = arith.constant 0 : i32
        %dma_wait3A_102 = arith.constant 0 : i32
        %dma_wait3A_103 = tpu.memref_slice %arg2[%dma_wait3A_101, %dma_wait3A_102] : memref<100000x128xf32, #tpu.memory_space<hbm>> -> memref<96x128xf32, #tpu.memory_space<hbm>>
        %dma_wait3A_104 = arith.constant 0 : i32
        %dma_wait3A_105 = arith.constant 0 : i32
        %dma_wait3A_106 = tpu.memref_slice %arg8[%dma_wait3A, %dma_wait3A_104, %dma_wait3A_105] : memref<2x96x128xf32, #tpu.memory_space<vmem>> -> memref<1x96x128xf32, #tpu.memory_space<vmem>>
        %dma_wait3A_107 = tpu.memref_squeeze %dma_wait3A_106 : memref<1x96x128xf32, #tpu.memory_space<vmem>> -> memref<96x128xf32, #tpu.memory_space<vmem>>
        %dma_wait3A_108 = arith.constant 0 : i32
        %dma_wait3A_109 = arith.constant 0 : i32
        %dma_wait3A_110 = tpu.memref_slice %arg2[%dma_wait3A_108, %dma_wait3A_109] : memref<100000x128xf32, #tpu.memory_space<hbm>> -> memref<96x128xf32, #tpu.memory_space<hbm>>
        tpu.wait_dma2 semaphore(%arg15 : memref<!tpu.dma_semaphore, #tpu.memory_space<semaphore_mem>>) src(%dma_wait3A_110 : memref<96x128xf32, #tpu.memory_space<hbm>>) dst(%dma_wait3A_107 : memref<96x128xf32, #tpu.memory_space<vmem>>)
        %dma_wait3A_111 = arith.constant 0 : i32
        %dma_wait3A_112 = arith.constant 0 : i32
        %dma_wait3A_113 = tpu.memref_slice %arg9[%dma_wait3A_111, %dma_wait3A_112] : memref<2x96xi32, #tpu.memory_space<vmem>> -> memref<1x96xi32, #tpu.memory_space<vmem>>
        %dma_wait3A_114 = tpu.memref_squeeze %dma_wait3A_113 : memref<1x96xi32, #tpu.memory_space<vmem>> -> memref<96xi32, #tpu.memory_space<vmem>>
        %dma_wait3A_115 = arith.constant 0 : i32
        %dma_wait3A_116 = tpu.memref_slice %arg3[%dma_wait3A_115] : memref<100000xi32, #tpu.memory_space<hbm>> -> memref<96xi32, #tpu.memory_space<hbm>>
        %dma_wait3A_117 = arith.constant 0 : i32
        %dma_wait3A_118 = tpu.memref_slice %arg9[%dma_wait3A_111, %dma_wait3A_117] : memref<2x96xi32, #tpu.memory_space<vmem>> -> memref<1x96xi32, #tpu.memory_space<vmem>>
        %dma_wait3A_119 = tpu.memref_squeeze %dma_wait3A_118 : memref<1x96xi32, #tpu.memory_space<vmem>> -> memref<96xi32, #tpu.memory_space<vmem>>
        %dma_wait3A_120 = arith.constant 0 : i32
        %dma_wait3A_121 = tpu.memref_slice %arg3[%dma_wait3A_120] : memref<100000xi32, #tpu.memory_space<hbm>> -> memref<96xi32, #tpu.memory_space<hbm>>
        tpu.wait_dma2 semaphore(%arg16 : memref<!tpu.dma_semaphore, #tpu.memory_space<semaphore_mem>>) src(%dma_wait3A_121 : memref<96xi32, #tpu.memory_space<hbm>>) dst(%dma_wait3A_119 : memref<96xi32, #tpu.memory_space<vmem>>)
        %run_scoped3A_122 = arith.constant 0 : i32
        %run_scoped3A_123 = arith.constant 0 : i32
        "tpu.region"() ({
          %run_scoped3A_125 = tpu.sem_alloc : memref<!tpu.dma_semaphore, #tpu.memory_space<semaphore_mem>>
          %dma_start3A = arith.constant 0 : i32
          %dma_start3A_126 = arith.constant 0 : i32
          %dma_start3A_127 = tpu.memref_slice %arg8[%run_scoped3A_122, %dma_start3A, %dma_start3A_126] : memref<2x96x128xf32, #tpu.memory_space<vmem>> -> memref<1x96x128xf32, #tpu.memory_space<vmem>>
          %dma_start3A_128 = tpu.memref_squeeze %dma_start3A_127 : memref<1x96x128xf32, #tpu.memory_space<vmem>> -> memref<96x128xf32, #tpu.memory_space<vmem>>
          %dma_start3A_129 = arith.constant 0 : i32
          %dma_start3A_130 = tpu.memref_slice %arg9[%run_scoped3A_123, %dma_start3A_129] : memref<2x96xi32, #tpu.memory_space<vmem>> -> memref<1x96xi32, #tpu.memory_space<vmem>>
          %dma_start3A_131 = tpu.memref_squeeze %dma_start3A_130 : memref<1x96xi32, #tpu.memory_space<vmem>> -> memref<96xi32, #tpu.memory_space<vmem>>
          %dma_start3A_132 = arith.constant 0 : i32
          %dma_start3A_133 = arith.constant 0 : i32
          %dma_start3A_134 = tpu.memref_slice %arg17[%dma_start3A_132, %dma_start3A_133] : memref<5120x128xf32, #tpu.memory_space<vmem_shared>> -> memref<5120x128xf32, #tpu.memory_space<vmem_shared>>
          tpu.enqueue_indirect_dma source(%dma_start3A_128 : memref<96x128xf32, #tpu.memory_space<vmem>>) target(%dma_start3A_134 : memref<5120x128xf32, #tpu.memory_space<vmem_shared>>) offsets(%dma_start3A_131 : memref<96xi32, #tpu.memory_space<vmem>>) semaphore(%run_scoped3A_125 : memref<!tpu.dma_semaphore, #tpu.memory_space<semaphore_mem>>) {add = true}
          %dma_wait3A_135 = arith.constant 0 : i32
          %dma_wait3A_136 = arith.constant 0 : i32
          %dma_wait3A_137 = tpu.memref_slice %arg8[%run_scoped3A_122, %dma_wait3A_135, %dma_wait3A_136] : memref<2x96x128xf32, #tpu.memory_space<vmem>> -> memref<1x96x128xf32, #tpu.memory_space<vmem>>
          %dma_wait3A_138 = tpu.memref_squeeze %dma_wait3A_137 : memref<1x96x128xf32, #tpu.memory_space<vmem>> -> memref<96x128xf32, #tpu.memory_space<vmem>>
          %dma_wait3A_139 = arith.constant 0 : i32
          %dma_wait3A_140 = tpu.memref_slice %arg9[%run_scoped3A_123, %dma_wait3A_139] : memref<2x96xi32, #tpu.memory_space<vmem>> -> memref<1x96xi32, #tpu.memory_space<vmem>>
          %dma_wait3A_141 = tpu.memref_squeeze %dma_wait3A_140 : memref<1x96xi32, #tpu.memory_space<vmem>> -> memref<96xi32, #tpu.memory_space<vmem>>
          %dma_wait3A_142 = arith.constant 0 : i32
          %dma_wait3A_143 = arith.constant 0 : i32
          %dma_wait3A_144 = tpu.memref_slice %arg17[%dma_wait3A_142, %dma_wait3A_143] : memref<5120x128xf32, #tpu.memory_space<vmem_shared>> -> memref<5120x128xf32, #tpu.memory_space<vmem_shared>>
          tpu.wait_indirect_dma semaphore(%run_scoped3A_125 : memref<!tpu.dma_semaphore, #tpu.memory_space<semaphore_mem>>) src(%dma_wait3A_138 : memref<96x128xf32, #tpu.memory_space<vmem>>) dst(%dma_wait3A_144 : memref<5120x128xf32, #tpu.memory_space<vmem_shared>>)
          tpu.yield
        }) : () -> ()
        %run_scoped3A_124 = arith.constant 0 : i32
        "tpu.region"() ({
          %run_scoped3A_125 = tpu.sem_alloc : memref<!tpu.dma_semaphore, #tpu.memory_space<semaphore_mem>>
          %dma_start3A = arith.constant 0 : i32
          %dma_start3A_126 = tpu.memref_slice %arg9[%run_scoped3A_124, %dma_start3A] : memref<2x96xi32, #tpu.memory_space<vmem>> -> memref<1x96xi32, #tpu.memory_space<vmem>>
          %dma_start3A_127 = tpu.memref_squeeze %dma_start3A_126 : memref<1x96xi32, #tpu.memory_space<vmem>> -> memref<96xi32, #tpu.memory_space<vmem>>
          %dma_start3A_128 = arith.constant 0 : i32
          %dma_start3A_129 = arith.constant 0 : i32
          %dma_start3A_130 = tpu.memref_slice %arg18[%dma_start3A_128, %dma_start3A_129] : memref<5120x128xf32, #tpu.memory_space<vmem_shared>> -> memref<5120x128xf32, #tpu.memory_space<vmem_shared>>
          tpu.enqueue_indirect_dma source(%arg12 : memref<96x128xf32, #tpu.memory_space<vmem>>) target(%dma_start3A_130 : memref<5120x128xf32, #tpu.memory_space<vmem_shared>>) offsets(%dma_start3A_127 : memref<96xi32, #tpu.memory_space<vmem>>) semaphore(%run_scoped3A_125 : memref<!tpu.dma_semaphore, #tpu.memory_space<semaphore_mem>>) {add = true}
          %dma_wait3A_131 = arith.constant 0 : i32
          %dma_wait3A_132 = tpu.memref_slice %arg9[%run_scoped3A_124, %dma_wait3A_131] : memref<2x96xi32, #tpu.memory_space<vmem>> -> memref<1x96xi32, #tpu.memory_space<vmem>>
          %dma_wait3A_133 = tpu.memref_squeeze %dma_wait3A_132 : memref<1x96xi32, #tpu.memory_space<vmem>> -> memref<96xi32, #tpu.memory_space<vmem>>
          %dma_wait3A_134 = arith.constant 0 : i32
          %dma_wait3A_135 = arith.constant 0 : i32
          %dma_wait3A_136 = tpu.memref_slice %arg18[%dma_wait3A_134, %dma_wait3A_135] : memref<5120x128xf32, #tpu.memory_space<vmem_shared>> -> memref<5120x128xf32, #tpu.memory_space<vmem_shared>>
          tpu.wait_indirect_dma semaphore(%run_scoped3A_125 : memref<!tpu.dma_semaphore, #tpu.memory_space<semaphore_mem>>) src(%arg12 : memref<96x128xf32, #tpu.memory_space<vmem>>) dst(%dma_wait3A_136 : memref<5120x128xf32, #tpu.memory_space<vmem_shared>>)
          tpu.yield
        }) : () -> ()
      } else {
      }
      %add3A_77 = arith.constant 2 : i32
      %add3A_78 = arith.addi %mul3A_58, %add3A_77 : i32
      %mul3A_79 = arith.constant 32 : i32
      %mul3A_80 = arith.muli %add3A_78, %mul3A_79 : i32
      %add3A_81 = arith.addi %add3A, %mul3A_80 : i32
      %lt3A_82 = arith.constant 1041 : i32
      %lt3A_83 = arith.cmpi slt, %add3A_81, %lt3A_82 : i32
      %convert_element_type3A_84 = arith.extui %lt3A_83 : i1 to i32
      %cond3A_85 = arith.constant 0 : i32
      %cond3A_86 = arith.cmpi ne, %convert_element_type3A_84, %cond3A_85 : i32
      scf.if %cond3A_86 {
        %mul3A_97 = arith.constant 96 : i32
        %mul3A_98 = arith.muli %add3A_81, %mul3A_97 : i32
        %dma_start3A = arith.constant 0 : i32
        %dma_start3A_99 = arith.constant 0 : i32
        %dma_start3A_100 = arith.constant 0 : i32
        %dma_start3A_101 = tpu.memref_slice %arg8[%dma_start3A, %dma_start3A_99, %dma_start3A_100] : memref<2x96x128xf32, #tpu.memory_space<vmem>> -> memref<1x96x128xf32, #tpu.memory_space<vmem>>
        %dma_start3A_102 = tpu.memref_squeeze %dma_start3A_101 : memref<1x96x128xf32, #tpu.memory_space<vmem>> -> memref<96x128xf32, #tpu.memory_space<vmem>>
        %dma_start3A_103 = arith.constant 0 : i32
        %dma_start3A_104 = tpu.memref_slice %arg2[%mul3A_98, %dma_start3A_103] : memref<100000x128xf32, #tpu.memory_space<hbm>> -> memref<96x128xf32, #tpu.memory_space<hbm>>
        %dma_start3A_105 = arith.constant 0 : i32
        %dma_start3A_106 = arith.constant 0 : i32
        %dma_start3A_107 = tpu.memref_slice %arg8[%dma_start3A, %dma_start3A_105, %dma_start3A_106] : memref<2x96x128xf32, #tpu.memory_space<vmem>> -> memref<1x96x128xf32, #tpu.memory_space<vmem>>
        %dma_start3A_108 = tpu.memref_squeeze %dma_start3A_107 : memref<1x96x128xf32, #tpu.memory_space<vmem>> -> memref<96x128xf32, #tpu.memory_space<vmem>>
        %dma_start3A_109 = arith.constant 0 : i32
        %dma_start3A_110 = tpu.memref_slice %arg2[%mul3A_98, %dma_start3A_109] : memref<100000x128xf32, #tpu.memory_space<hbm>> -> memref<96x128xf32, #tpu.memory_space<hbm>>
        tpu.enqueue_dma source(%dma_start3A_110 : memref<96x128xf32, #tpu.memory_space<hbm>>) target(%dma_start3A_108 : memref<96x128xf32, #tpu.memory_space<vmem>>) target_semaphore(%arg15 : memref<!tpu.dma_semaphore, #tpu.memory_space<semaphore_mem>>)
        %dma_start3A_111 = arith.constant 0 : i32
        %dma_start3A_112 = arith.constant 0 : i32
        %dma_start3A_113 = tpu.memref_slice %arg9[%dma_start3A_111, %dma_start3A_112] : memref<2x96xi32, #tpu.memory_space<vmem>> -> memref<1x96xi32, #tpu.memory_space<vmem>>
        %dma_start3A_114 = tpu.memref_squeeze %dma_start3A_113 : memref<1x96xi32, #tpu.memory_space<vmem>> -> memref<96xi32, #tpu.memory_space<vmem>>
        %dma_start3A_115 = tpu.memref_slice %arg3[%mul3A_98] : memref<100000xi32, #tpu.memory_space<hbm>> -> memref<96xi32, #tpu.memory_space<hbm>>
        %dma_start3A_116 = arith.constant 0 : i32
        %dma_start3A_117 = tpu.memref_slice %arg9[%dma_start3A_111, %dma_start3A_116] : memref<2x96xi32, #tpu.memory_space<vmem>> -> memref<1x96xi32, #tpu.memory_space<vmem>>
        %dma_start3A_118 = tpu.memref_squeeze %dma_start3A_117 : memref<1x96xi32, #tpu.memory_space<vmem>> -> memref<96xi32, #tpu.memory_space<vmem>>
        %dma_start3A_119 = tpu.memref_slice %arg3[%mul3A_98] : memref<100000xi32, #tpu.memory_space<hbm>> -> memref<96xi32, #tpu.memory_space<hbm>>
        tpu.enqueue_dma source(%dma_start3A_119 : memref<96xi32, #tpu.memory_space<hbm>>) target(%dma_start3A_118 : memref<96xi32, #tpu.memory_space<vmem>>) target_semaphore(%arg16 : memref<!tpu.dma_semaphore, #tpu.memory_space<semaphore_mem>>)
      } else {
      }
      %add3A_87 = arith.constant 1 : i32
      %add3A_88 = arith.addi %mul3A_58, %add3A_87 : i32
      %mul3A_89 = arith.constant 32 : i32
      %mul3A_90 = arith.muli %add3A_88, %mul3A_89 : i32
      %add3A_91 = arith.addi %add3A, %mul3A_90 : i32
      %lt3A_92 = arith.constant 1041 : i32
      %lt3A_93 = arith.cmpi slt, %add3A_91, %lt3A_92 : i32
      %convert_element_type3A_94 = arith.extui %lt3A_93 : i1 to i32
      %cond3A_95 = arith.constant 0 : i32
      %cond3A_96 = arith.cmpi ne, %convert_element_type3A_94, %cond3A_95 : i32
      scf.if %cond3A_96 {
        %dma_wait3A = arith.constant 1 : i32
        %dma_wait3A_97 = arith.constant 0 : i32
        %dma_wait3A_98 = arith.constant 0 : i32
        %dma_wait3A_99 = tpu.memref_slice %arg8[%dma_wait3A, %dma_wait3A_97, %dma_wait3A_98] : memref<2x96x128xf32, #tpu.memory_space<vmem>> -> memref<1x96x128xf32, #tpu.memory_space<vmem>>
        %dma_wait3A_100 = tpu.memref_squeeze %dma_wait3A_99 : memref<1x96x128xf32, #tpu.memory_space<vmem>> -> memref<96x128xf32, #tpu.memory_space<vmem>>
        %dma_wait3A_101 = arith.constant 0 : i32
        %dma_wait3A_102 = arith.constant 0 : i32
        %dma_wait3A_103 = tpu.memref_slice %arg2[%dma_wait3A_101, %dma_wait3A_102] : memref<100000x128xf32, #tpu.memory_space<hbm>> -> memref<96x128xf32, #tpu.memory_space<hbm>>
        %dma_wait3A_104 = arith.constant 0 : i32
        %dma_wait3A_105 = arith.constant 0 : i32
        %dma_wait3A_106 = tpu.memref_slice %arg8[%dma_wait3A, %dma_wait3A_104, %dma_wait3A_105] : memref<2x96x128xf32, #tpu.memory_space<vmem>> -> memref<1x96x128xf32, #tpu.memory_space<vmem>>
        %dma_wait3A_107 = tpu.memref_squeeze %dma_wait3A_106 : memref<1x96x128xf32, #tpu.memory_space<vmem>> -> memref<96x128xf32, #tpu.memory_space<vmem>>
        %dma_wait3A_108 = arith.constant 0 : i32
        %dma_wait3A_109 = arith.constant 0 : i32
        %dma_wait3A_110 = tpu.memref_slice %arg2[%dma_wait3A_108, %dma_wait3A_109] : memref<100000x128xf32, #tpu.memory_space<hbm>> -> memref<96x128xf32, #tpu.memory_space<hbm>>
        tpu.wait_dma2 semaphore(%arg15 : memref<!tpu.dma_semaphore, #tpu.memory_space<semaphore_mem>>) src(%dma_wait3A_110 : memref<96x128xf32, #tpu.memory_space<hbm>>) dst(%dma_wait3A_107 : memref<96x128xf32, #tpu.memory_space<vmem>>)
        %dma_wait3A_111 = arith.constant 1 : i32
        %dma_wait3A_112 = arith.constant 0 : i32
        %dma_wait3A_113 = tpu.memref_slice %arg9[%dma_wait3A_111, %dma_wait3A_112] : memref<2x96xi32, #tpu.memory_space<vmem>> -> memref<1x96xi32, #tpu.memory_space<vmem>>
        %dma_wait3A_114 = tpu.memref_squeeze %dma_wait3A_113 : memref<1x96xi32, #tpu.memory_space<vmem>> -> memref<96xi32, #tpu.memory_space<vmem>>
        %dma_wait3A_115 = arith.constant 0 : i32
        %dma_wait3A_116 = tpu.memref_slice %arg3[%dma_wait3A_115] : memref<100000xi32, #tpu.memory_space<hbm>> -> memref<96xi32, #tpu.memory_space<hbm>>
        %dma_wait3A_117 = arith.constant 0 : i32
        %dma_wait3A_118 = tpu.memref_slice %arg9[%dma_wait3A_111, %dma_wait3A_117] : memref<2x96xi32, #tpu.memory_space<vmem>> -> memref<1x96xi32, #tpu.memory_space<vmem>>
        %dma_wait3A_119 = tpu.memref_squeeze %dma_wait3A_118 : memref<1x96xi32, #tpu.memory_space<vmem>> -> memref<96xi32, #tpu.memory_space<vmem>>
        %dma_wait3A_120 = arith.constant 0 : i32
        %dma_wait3A_121 = tpu.memref_slice %arg3[%dma_wait3A_120] : memref<100000xi32, #tpu.memory_space<hbm>> -> memref<96xi32, #tpu.memory_space<hbm>>
        tpu.wait_dma2 semaphore(%arg16 : memref<!tpu.dma_semaphore, #tpu.memory_space<semaphore_mem>>) src(%dma_wait3A_121 : memref<96xi32, #tpu.memory_space<hbm>>) dst(%dma_wait3A_119 : memref<96xi32, #tpu.memory_space<vmem>>)
        %run_scoped3A_122 = arith.constant 1 : i32
        %run_scoped3A_123 = arith.constant 1 : i32
        "tpu.region"() ({
          %run_scoped3A_125 = tpu.sem_alloc : memref<!tpu.dma_semaphore, #tpu.memory_space<semaphore_mem>>
          %dma_start3A = arith.constant 0 : i32
          %dma_start3A_126 = arith.constant 0 : i32
          %dma_start3A_127 = tpu.memref_slice %arg8[%run_scoped3A_122, %dma_start3A, %dma_start3A_126] : memref<2x96x128xf32, #tpu.memory_space<vmem>> -> memref<1x96x128xf32, #tpu.memory_space<vmem>>
          %dma_start3A_128 = tpu.memref_squeeze %dma_start3A_127 : memref<1x96x128xf32, #tpu.memory_space<vmem>> -> memref<96x128xf32, #tpu.memory_space<vmem>>
          %dma_start3A_129 = arith.constant 0 : i32
          %dma_start3A_130 = tpu.memref_slice %arg9[%run_scoped3A_123, %dma_start3A_129] : memref<2x96xi32, #tpu.memory_space<vmem>> -> memref<1x96xi32, #tpu.memory_space<vmem>>
          %dma_start3A_131 = tpu.memref_squeeze %dma_start3A_130 : memref<1x96xi32, #tpu.memory_space<vmem>> -> memref<96xi32, #tpu.memory_space<vmem>>
          %dma_start3A_132 = arith.constant 0 : i32
          %dma_start3A_133 = arith.constant 0 : i32
          %dma_start3A_134 = tpu.memref_slice %arg17[%dma_start3A_132, %dma_start3A_133] : memref<5120x128xf32, #tpu.memory_space<vmem_shared>> -> memref<5120x128xf32, #tpu.memory_space<vmem_shared>>
          tpu.enqueue_indirect_dma source(%dma_start3A_128 : memref<96x128xf32, #tpu.memory_space<vmem>>) target(%dma_start3A_134 : memref<5120x128xf32, #tpu.memory_space<vmem_shared>>) offsets(%dma_start3A_131 : memref<96xi32, #tpu.memory_space<vmem>>) semaphore(%run_scoped3A_125 : memref<!tpu.dma_semaphore, #tpu.memory_space<semaphore_mem>>) {add = true}
          %dma_wait3A_135 = arith.constant 0 : i32
          %dma_wait3A_136 = arith.constant 0 : i32
          %dma_wait3A_137 = tpu.memref_slice %arg8[%run_scoped3A_122, %dma_wait3A_135, %dma_wait3A_136] : memref<2x96x128xf32, #tpu.memory_space<vmem>> -> memref<1x96x128xf32, #tpu.memory_space<vmem>>
          %dma_wait3A_138 = tpu.memref_squeeze %dma_wait3A_137 : memref<1x96x128xf32, #tpu.memory_space<vmem>> -> memref<96x128xf32, #tpu.memory_space<vmem>>
          %dma_wait3A_139 = arith.constant 0 : i32
          %dma_wait3A_140 = tpu.memref_slice %arg9[%run_scoped3A_123, %dma_wait3A_139] : memref<2x96xi32, #tpu.memory_space<vmem>> -> memref<1x96xi32, #tpu.memory_space<vmem>>
          %dma_wait3A_141 = tpu.memref_squeeze %dma_wait3A_140 : memref<1x96xi32, #tpu.memory_space<vmem>> -> memref<96xi32, #tpu.memory_space<vmem>>
          %dma_wait3A_142 = arith.constant 0 : i32
          %dma_wait3A_143 = arith.constant 0 : i32
          %dma_wait3A_144 = tpu.memref_slice %arg17[%dma_wait3A_142, %dma_wait3A_143] : memref<5120x128xf32, #tpu.memory_space<vmem_shared>> -> memref<5120x128xf32, #tpu.memory_space<vmem_shared>>
          tpu.wait_indirect_dma semaphore(%run_scoped3A_125 : memref<!tpu.dma_semaphore, #tpu.memory_space<semaphore_mem>>) src(%dma_wait3A_138 : memref<96x128xf32, #tpu.memory_space<vmem>>) dst(%dma_wait3A_144 : memref<5120x128xf32, #tpu.memory_space<vmem_shared>>)
          tpu.yield
        }) : () -> ()
        %run_scoped3A_124 = arith.constant 1 : i32
        "tpu.region"() ({
          %run_scoped3A_125 = tpu.sem_alloc : memref<!tpu.dma_semaphore, #tpu.memory_space<semaphore_mem>>
          %dma_start3A = arith.constant 0 : i32
          %dma_start3A_126 = tpu.memref_slice %arg9[%run_scoped3A_124, %dma_start3A] : memref<2x96xi32, #tpu.memory_space<vmem>> -> memref<1x96xi32, #tpu.memory_space<vmem>>
          %dma_start3A_127 = tpu.memref_squeeze %dma_start3A_126 : memref<1x96xi32, #tpu.memory_space<vmem>> -> memref<96xi32, #tpu.memory_space<vmem>>
          %dma_start3A_128 = arith.constant 0 : i32
          %dma_start3A_129 = arith.constant 0 : i32
          %dma_start3A_130 = tpu.memref_slice %arg18[%dma_start3A_128, %dma_start3A_129] : memref<5120x128xf32, #tpu.memory_space<vmem_shared>> -> memref<5120x128xf32, #tpu.memory_space<vmem_shared>>
          tpu.enqueue_indirect_dma source(%arg12 : memref<96x128xf32, #tpu.memory_space<vmem>>) target(%dma_start3A_130 : memref<5120x128xf32, #tpu.memory_space<vmem_shared>>) offsets(%dma_start3A_127 : memref<96xi32, #tpu.memory_space<vmem>>) semaphore(%run_scoped3A_125 : memref<!tpu.dma_semaphore, #tpu.memory_space<semaphore_mem>>) {add = true}
          %dma_wait3A_131 = arith.constant 0 : i32
          %dma_wait3A_132 = tpu.memref_slice %arg9[%run_scoped3A_124, %dma_wait3A_131] : memref<2x96xi32, #tpu.memory_space<vmem>> -> memref<1x96xi32, #tpu.memory_space<vmem>>
          %dma_wait3A_133 = tpu.memref_squeeze %dma_wait3A_132 : memref<1x96xi32, #tpu.memory_space<vmem>> -> memref<96xi32, #tpu.memory_space<vmem>>
          %dma_wait3A_134 = arith.constant 0 : i32
          %dma_wait3A_135 = arith.constant 0 : i32
          %dma_wait3A_136 = tpu.memref_slice %arg18[%dma_wait3A_134, %dma_wait3A_135] : memref<5120x128xf32, #tpu.memory_space<vmem_shared>> -> memref<5120x128xf32, #tpu.memory_space<vmem_shared>>
          tpu.wait_indirect_dma semaphore(%run_scoped3A_125 : memref<!tpu.dma_semaphore, #tpu.memory_space<semaphore_mem>>) src(%arg12 : memref<96x128xf32, #tpu.memory_space<vmem>>) dst(%dma_wait3A_136 : memref<5120x128xf32, #tpu.memory_space<vmem_shared>>)
          tpu.yield
        }) : () -> ()
      } else {
      }
    }
    %scan3A_45 = arith.constant 17 : i32
    %eq3A = arith.constant 17 : i32
    %eq3A_46 = arith.cmpi eq, %add3A, %eq3A : i32
    %convert_element_type3A_47 = arith.extui %eq3A_46 : i1 to i32
    %cond3A_48 = arith.constant 0 : i32
    %cond3A_49 = arith.cmpi ne, %convert_element_type3A_47, %cond3A_48 : i32
    scf.if %cond3A_49 {
      "tpu.region"() ({
        %run_scoped3A_56 = tpu.sem_alloc : memref<!tpu.dma_semaphore, #tpu.memory_space<semaphore_mem>>
        %dma_start3A = arith.constant 99936 : i32
        %dma_start3A_57 = arith.constant 0 : i32
        %dma_start3A_58 = tpu.memref_slice %arg2[%dma_start3A, %dma_start3A_57] : memref<100000x128xf32, #tpu.memory_space<hbm>> -> memref<64x128xf32, #tpu.memory_space<hbm>>
        %dma_start3A_59 = arith.constant 99936 : i32
        %dma_start3A_60 = arith.constant 0 : i32
        %dma_start3A_61 = tpu.memref_slice %arg2[%dma_start3A_59, %dma_start3A_60] : memref<100000x128xf32, #tpu.memory_space<hbm>> -> memref<64x128xf32, #tpu.memory_space<hbm>>
        tpu.enqueue_dma source(%dma_start3A_61 : memref<64x128xf32, #tpu.memory_space<hbm>>) target(%arg10 : memref<64x128xf32, #tpu.memory_space<vmem>>) target_semaphore(%run_scoped3A_56 : memref<!tpu.dma_semaphore, #tpu.memory_space<semaphore_mem>>)
        %dma_wait3A = arith.constant 99936 : i32
        %dma_wait3A_62 = arith.constant 0 : i32
        %dma_wait3A_63 = tpu.memref_slice %arg2[%dma_wait3A, %dma_wait3A_62] : memref<100000x128xf32, #tpu.memory_space<hbm>> -> memref<64x128xf32, #tpu.memory_space<hbm>>
        %dma_wait3A_64 = arith.constant 99936 : i32
        %dma_wait3A_65 = arith.constant 0 : i32
        %dma_wait3A_66 = tpu.memref_slice %arg2[%dma_wait3A_64, %dma_wait3A_65] : memref<100000x128xf32, #tpu.memory_space<hbm>> -> memref<64x128xf32, #tpu.memory_space<hbm>>
        tpu.wait_dma2 semaphore(%run_scoped3A_56 : memref<!tpu.dma_semaphore, #tpu.memory_space<semaphore_mem>>) src(%dma_wait3A_66 : memref<64x128xf32, #tpu.memory_space<hbm>>) dst(%arg10 : memref<64x128xf32, #tpu.memory_space<vmem>>)
        tpu.yield
      }) : () -> ()
      "tpu.region"() ({
        %run_scoped3A_56 = tpu.sem_alloc : memref<!tpu.dma_semaphore, #tpu.memory_space<semaphore_mem>>
        %dma_start3A = arith.constant 99936 : i32
        %dma_start3A_57 = tpu.memref_slice %arg3[%dma_start3A] : memref<100000xi32, #tpu.memory_space<hbm>> -> memref<64xi32, #tpu.memory_space<hbm>>
        %dma_start3A_58 = arith.constant 99936 : i32
        %dma_start3A_59 = tpu.memref_slice %arg3[%dma_start3A_58] : memref<100000xi32, #tpu.memory_space<hbm>> -> memref<64xi32, #tpu.memory_space<hbm>>
        tpu.enqueue_dma source(%dma_start3A_59 : memref<64xi32, #tpu.memory_space<hbm>>) target(%arg11 : memref<64xi32, #tpu.memory_space<vmem>>) target_semaphore(%run_scoped3A_56 : memref<!tpu.dma_semaphore, #tpu.memory_space<semaphore_mem>>)
        %dma_wait3A = arith.constant 99936 : i32
        %dma_wait3A_60 = tpu.memref_slice %arg3[%dma_wait3A] : memref<100000xi32, #tpu.memory_space<hbm>> -> memref<64xi32, #tpu.memory_space<hbm>>
        %dma_wait3A_61 = arith.constant 99936 : i32
        %dma_wait3A_62 = tpu.memref_slice %arg3[%dma_wait3A_61] : memref<100000xi32, #tpu.memory_space<hbm>> -> memref<64xi32, #tpu.memory_space<hbm>>
        tpu.wait_dma2 semaphore(%run_scoped3A_56 : memref<!tpu.dma_semaphore, #tpu.memory_space<semaphore_mem>>) src(%dma_wait3A_62 : memref<64xi32, #tpu.memory_space<hbm>>) dst(%arg11 : memref<64xi32, #tpu.memory_space<vmem>>)
        tpu.yield
      }) : () -> ()
      "tpu.region"() ({
        %run_scoped3A_56 = tpu.sem_alloc : memref<!tpu.dma_semaphore, #tpu.memory_space<semaphore_mem>>
        %dma_start3A = arith.constant 0 : i32
        %dma_start3A_57 = arith.constant 0 : i32
        %dma_start3A_58 = tpu.memref_slice %arg17[%dma_start3A, %dma_start3A_57] : memref<5120x128xf32, #tpu.memory_space<vmem_shared>> -> memref<5120x128xf32, #tpu.memory_space<vmem_shared>>
        tpu.enqueue_indirect_dma source(%arg10 : memref<64x128xf32, #tpu.memory_space<vmem>>) target(%dma_start3A_58 : memref<5120x128xf32, #tpu.memory_space<vmem_shared>>) offsets(%arg11 : memref<64xi32, #tpu.memory_space<vmem>>) semaphore(%run_scoped3A_56 : memref<!tpu.dma_semaphore, #tpu.memory_space<semaphore_mem>>) {add = true}
        %dma_wait3A = arith.constant 0 : i32
        %dma_wait3A_59 = arith.constant 0 : i32
        %dma_wait3A_60 = tpu.memref_slice %arg17[%dma_wait3A, %dma_wait3A_59] : memref<5120x128xf32, #tpu.memory_space<vmem_shared>> -> memref<5120x128xf32, #tpu.memory_space<vmem_shared>>
        tpu.wait_indirect_dma semaphore(%run_scoped3A_56 : memref<!tpu.dma_semaphore, #tpu.memory_space<semaphore_mem>>) src(%arg10 : memref<64x128xf32, #tpu.memory_space<vmem>>) dst(%dma_wait3A_60 : memref<5120x128xf32, #tpu.memory_space<vmem_shared>>)
        tpu.yield
      }) : () -> ()
      "tpu.region"() ({
        %run_scoped3A_56 = tpu.sem_alloc : memref<!tpu.dma_semaphore, #tpu.memory_space<semaphore_mem>>
        %dma_start3A = arith.constant 0 : i32
        %dma_start3A_57 = arith.constant 0 : i32
        %dma_start3A_58 = tpu.memref_slice %arg12[%dma_start3A, %dma_start3A_57] : memref<96x128xf32, #tpu.memory_space<vmem>> -> memref<64x128xf32, #tpu.memory_space<vmem>>
        %dma_start3A_59 = arith.constant 0 : i32
        %dma_start3A_60 = arith.constant 0 : i32
        %dma_start3A_61 = tpu.memref_slice %arg18[%dma_start3A_59, %dma_start3A_60] : memref<5120x128xf32, #tpu.memory_space<vmem_shared>> -> memref<5120x128xf32, #tpu.memory_space<vmem_shared>>
        tpu.enqueue_indirect_dma source(%dma_start3A_58 : memref<64x128xf32, #tpu.memory_space<vmem>>) target(%dma_start3A_61 : memref<5120x128xf32, #tpu.memory_space<vmem_shared>>) offsets(%arg11 : memref<64xi32, #tpu.memory_space<vmem>>) semaphore(%run_scoped3A_56 : memref<!tpu.dma_semaphore, #tpu.memory_space<semaphore_mem>>) {add = true}
        %dma_wait3A = arith.constant 0 : i32
        %dma_wait3A_62 = arith.constant 0 : i32
        %dma_wait3A_63 = tpu.memref_slice %arg12[%dma_wait3A, %dma_wait3A_62] : memref<96x128xf32, #tpu.memory_space<vmem>> -> memref<64x128xf32, #tpu.memory_space<vmem>>
        %dma_wait3A_64 = arith.constant 0 : i32
        %dma_wait3A_65 = arith.constant 0 : i32
        %dma_wait3A_66 = tpu.memref_slice %arg18[%dma_wait3A_64, %dma_wait3A_65] : memref<5120x128xf32, #tpu.memory_space<vmem_shared>> -> memref<5120x128xf32, #tpu.memory_space<vmem_shared>>
        tpu.wait_indirect_dma semaphore(%run_scoped3A_56 : memref<!tpu.dma_semaphore, #tpu.memory_space<semaphore_mem>>) src(%dma_wait3A_63 : memref<64x128xf32, #tpu.memory_space<vmem>>) dst(%dma_wait3A_66 : memref<5120x128xf32, #tpu.memory_space<vmem_shared>>)
        tpu.yield
      }) : () -> ()
    } else {
    }
    %eq3A_50 = arith.constant 0 : i32
    %eq3A_51 = arith.cmpi eq, %add3A, %eq3A_50 : i32
    %convert_element_type3A_52 = arith.extui %eq3A_51 : i1 to i32
    %cond3A_53 = arith.constant 0 : i32
    %cond3A_54 = arith.cmpi ne, %convert_element_type3A_52, %cond3A_53 : i32
    scf.if %cond3A_54 {
      %scan3A_56 = arith.constant 0 : i32
      %scan3A_57 = arith.constant 0 : i32
      %scan3A_58 = arith.constant 8 : i32
      %scan3A_59 = arith.addi %scan3A_57, %scan3A_58 : i32
      %scan3A_60 = arith.constant 1 : i32
      scf.for %scan3A_62 = %scan3A_57 to %scan3A_59 step %scan3A_60  : i32 {
        %mul3A_63 = arith.constant 128 : i32
        %mul3A_64 = arith.muli %scan3A_62, %mul3A_63 : i32
        "tpu.region"() ({
          %run_scoped3A_67 = tpu.sem_alloc : memref<!tpu.dma_semaphore, #tpu.memory_space<semaphore_mem>>
          %dma_start3A = tpu.memref_slice %arg4[%mul3A_64] : memref<1024xi32, #tpu.memory_space<hbm>> -> memref<128xi32, #tpu.memory_space<hbm>>
          %dma_start3A_68 = tpu.memref_slice %arg4[%mul3A_64] : memref<1024xi32, #tpu.memory_space<hbm>> -> memref<128xi32, #tpu.memory_space<hbm>>
          tpu.enqueue_dma source(%dma_start3A_68 : memref<128xi32, #tpu.memory_space<hbm>>) target(%arg13 : memref<128xi32, #tpu.memory_space<vmem>>) target_semaphore(%run_scoped3A_67 : memref<!tpu.dma_semaphore, #tpu.memory_space<semaphore_mem>>)
          %dma_wait3A = tpu.memref_slice %arg4[%mul3A_64] : memref<1024xi32, #tpu.memory_space<hbm>> -> memref<128xi32, #tpu.memory_space<hbm>>
          %dma_wait3A_69 = tpu.memref_slice %arg4[%mul3A_64] : memref<1024xi32, #tpu.memory_space<hbm>> -> memref<128xi32, #tpu.memory_space<hbm>>
          tpu.wait_dma2 semaphore(%run_scoped3A_67 : memref<!tpu.dma_semaphore, #tpu.memory_space<semaphore_mem>>) src(%dma_wait3A_69 : memref<128xi32, #tpu.memory_space<hbm>>) dst(%arg13 : memref<128xi32, #tpu.memory_space<vmem>>)
          tpu.yield
        }) : () -> ()
        "tpu.region"() ({
          %run_scoped3A_67 = tpu.sem_alloc : memref<!tpu.dma_semaphore, #tpu.memory_space<semaphore_mem>>
          %dma_start3A = arith.constant 0 : i32
          %dma_start3A_68 = tpu.memref_slice %arg3[%dma_start3A] : memref<100000xi32, #tpu.memory_space<hbm>> -> memref<100000xi32, #tpu.memory_space<hbm>>
          tpu.enqueue_indirect_dma source(%dma_start3A_68 : memref<100000xi32, #tpu.memory_space<hbm>>) target(%arg14 : memref<128xi32, #tpu.memory_space<vmem>>) offsets(%arg13 : memref<128xi32, #tpu.memory_space<vmem>>) semaphore(%run_scoped3A_67 : memref<!tpu.dma_semaphore, #tpu.memory_space<semaphore_mem>>)
          %dma_wait3A = arith.constant 0 : i32
          %dma_wait3A_69 = tpu.memref_slice %arg3[%dma_wait3A] : memref<100000xi32, #tpu.memory_space<hbm>> -> memref<100000xi32, #tpu.memory_space<hbm>>
          tpu.wait_indirect_dma semaphore(%run_scoped3A_67 : memref<!tpu.dma_semaphore, #tpu.memory_space<semaphore_mem>>) src(%dma_wait3A_69 : memref<100000xi32, #tpu.memory_space<hbm>>) dst(%arg14 : memref<128xi32, #tpu.memory_space<vmem>>)
          tpu.yield
        }) : () -> ()
        %mul3A_65 = arith.constant 128 : i32
        %mul3A_66 = arith.muli %scan3A_62, %mul3A_65 : i32
        "tpu.region"() ({
          %run_scoped3A_67 = tpu.sem_alloc : memref<!tpu.dma_semaphore, #tpu.memory_space<semaphore_mem>>
          %dma_start3A = tpu.memref_slice %arg7[%mul3A_66] : memref<1024xi32, #tpu.memory_space<hbm>> -> memref<128xi32, #tpu.memory_space<hbm>>
          %dma_start3A_68 = tpu.memref_slice %arg7[%mul3A_66] : memref<1024xi32, #tpu.memory_space<hbm>> -> memref<128xi32, #tpu.memory_space<hbm>>
          tpu.enqueue_dma source(%arg14 : memref<128xi32, #tpu.memory_space<vmem>>) target(%dma_start3A_68 : memref<128xi32, #tpu.memory_space<hbm>>) target_semaphore(%run_scoped3A_67 : memref<!tpu.dma_semaphore, #tpu.memory_space<semaphore_mem>>)
          %dma_wait3A = tpu.memref_slice %arg7[%mul3A_66] : memref<1024xi32, #tpu.memory_space<hbm>> -> memref<128xi32, #tpu.memory_space<hbm>>
          %dma_wait3A_69 = tpu.memref_slice %arg7[%mul3A_66] : memref<1024xi32, #tpu.memory_space<hbm>> -> memref<128xi32, #tpu.memory_space<hbm>>
          tpu.wait_dma2 semaphore(%run_scoped3A_67 : memref<!tpu.dma_semaphore, #tpu.memory_space<semaphore_mem>>) src(%arg14 : memref<128xi32, #tpu.memory_space<vmem>>) dst(%dma_wait3A_69 : memref<128xi32, #tpu.memory_space<hbm>>)
          tpu.yield
        }) : () -> ()
      }
      %scan3A_61 = arith.constant 8 : i32
    } else {
    }
    %barrier3A_55 = arith.constant 0 : index
    tpu.barrier barrier_id(%barrier3A_55)
    "tpu.region"() ({
      %run_scoped3A_56 = tpu.sem_alloc : memref<!tpu.dma_semaphore, #tpu.memory_space<semaphore_mem>>
      %dma_start3A = arith.constant 0 : i32
      %dma_start3A_57 = tpu.memref_slice %arg5[%arg0, %mul3A_2, %dma_start3A] : memref<2x5120x128xf32, #tpu.memory_space<hbm>> -> memref<1x320x128xf32, #tpu.memory_space<hbm>>
      %dma_start3A_58 = tpu.memref_squeeze %dma_start3A_57 : memref<1x320x128xf32, #tpu.memory_space<hbm>> -> memref<320x128xf32, #tpu.memory_space<hbm>>
      %dma_start3A_59 = arith.constant 0 : i32
      %dma_start3A_60 = tpu.memref_slice %arg17[%mul3A_2, %dma_start3A_59] : memref<5120x128xf32, #tpu.memory_space<vmem_shared>> -> memref<320x128xf32, #tpu.memory_space<vmem_shared>>
      tpu.enqueue_dma source(%dma_start3A_60 : memref<320x128xf32, #tpu.memory_space<vmem_shared>>) target(%dma_start3A_58 : memref<320x128xf32, #tpu.memory_space<hbm>>) target_semaphore(%run_scoped3A_56 : memref<!tpu.dma_semaphore, #tpu.memory_space<semaphore_mem>>)
      %dma_wait3A = arith.constant 0 : i32
      %dma_wait3A_61 = tpu.memref_slice %arg5[%arg0, %mul3A_2, %dma_wait3A] : memref<2x5120x128xf32, #tpu.memory_space<hbm>> -> memref<1x320x128xf32, #tpu.memory_space<hbm>>
      %dma_wait3A_62 = tpu.memref_squeeze %dma_wait3A_61 : memref<1x320x128xf32, #tpu.memory_space<hbm>> -> memref<320x128xf32, #tpu.memory_space<hbm>>
      %dma_wait3A_63 = arith.constant 0 : i32
      %dma_wait3A_64 = tpu.memref_slice %arg17[%mul3A_2, %dma_wait3A_63] : memref<5120x128xf32, #tpu.memory_space<vmem_shared>> -> memref<320x128xf32, #tpu.memory_space<vmem_shared>>
      tpu.wait_dma2 semaphore(%run_scoped3A_56 : memref<!tpu.dma_semaphore, #tpu.memory_space<semaphore_mem>>) src(%dma_wait3A_64 : memref<320x128xf32, #tpu.memory_space<vmem_shared>>) dst(%dma_wait3A_62 : memref<320x128xf32, #tpu.memory_space<hbm>>)
      tpu.yield
    }) : () -> ()
    "tpu.region"() ({
      %run_scoped3A_56 = tpu.sem_alloc : memref<!tpu.dma_semaphore, #tpu.memory_space<semaphore_mem>>
      %dma_start3A = arith.constant 0 : i32
      %dma_start3A_57 = tpu.memref_slice %arg6[%arg0, %mul3A_2, %dma_start3A] : memref<2x5120x128xf32, #tpu.memory_space<hbm>> -> memref<1x320x128xf32, #tpu.memory_space<hbm>>
      %dma_start3A_58 = tpu.memref_squeeze %dma_start3A_57 : memref<1x320x128xf32, #tpu.memory_space<hbm>> -> memref<320x128xf32, #tpu.memory_space<hbm>>
      %dma_start3A_59 = arith.constant 0 : i32
      %dma_start3A_60 = tpu.memref_slice %arg18[%mul3A_2, %dma_start3A_59] : memref<5120x128xf32, #tpu.memory_space<vmem_shared>> -> memref<320x128xf32, #tpu.memory_space<vmem_shared>>
      tpu.enqueue_dma source(%dma_start3A_60 : memref<320x128xf32, #tpu.memory_space<vmem_shared>>) target(%dma_start3A_58 : memref<320x128xf32, #tpu.memory_space<hbm>>) target_semaphore(%run_scoped3A_56 : memref<!tpu.dma_semaphore, #tpu.memory_space<semaphore_mem>>)
      %dma_wait3A = arith.constant 0 : i32
      %dma_wait3A_61 = tpu.memref_slice %arg6[%arg0, %mul3A_2, %dma_wait3A] : memref<2x5120x128xf32, #tpu.memory_space<hbm>> -> memref<1x320x128xf32, #tpu.memory_space<hbm>>
      %dma_wait3A_62 = tpu.memref_squeeze %dma_wait3A_61 : memref<1x320x128xf32, #tpu.memory_space<hbm>> -> memref<320x128xf32, #tpu.memory_space<hbm>>
      %dma_wait3A_63 = arith.constant 0 : i32
      %dma_wait3A_64 = tpu.memref_slice %arg18[%mul3A_2, %dma_wait3A_63] : memref<5120x128xf32, #tpu.memory_space<vmem_shared>> -> memref<320x128xf32, #tpu.memory_space<vmem_shared>>
      tpu.wait_dma2 semaphore(%run_scoped3A_56 : memref<!tpu.dma_semaphore, #tpu.memory_space<semaphore_mem>>) src(%dma_wait3A_64 : memref<320x128xf32, #tpu.memory_space<vmem_shared>>) dst(%dma_wait3A_62 : memref<320x128xf32, #tpu.memory_space<hbm>>)
      tpu.yield
    }) : () -> ()
    return
  }
}

module attributes {stable_mosaic.version = 14 : i64} {
  func.func @_tc_body(%arg0: i32, %arg1: memref<256x128xf32, #tpu.memory_space<vmem>>, %arg2: memref<2x5120x128xf32, #tpu.memory_space<vmem>>, %arg3: memref<1x5120xf32, #tpu.memory_space<vmem>>, %arg4: memref<1x256x1xi32, #tpu.memory_space<vmem>>, %arg5: memref<1x1xf32, #tpu.memory_space<vmem>>) attributes {dimension_semantics = [#tpu.dimension_semantics<arbitrary>], iteration_bounds = array<i64: 4>, scalar_prefetch = 0 : i64, scratch_operands = 0 : i64, tpu.core_type = #tpu.core_type<tc>, window_params = [{transform_indices = @transform_0, window_bounds = array<i64: 256, 128>}, {pipeline_mode = #tpu.pipeline_mode<synchronous>, transform_indices = @transform_1, window_bounds = array<i64: 2, 5120, 128>}, {pipeline_mode = #tpu.pipeline_mode<synchronous>, transform_indices = @transform_2, window_bounds = array<i64: 1, 5120>}, {transform_indices = @transform_3, window_bounds = array<i64: 1, 256, 1>}, {pipeline_mode = #tpu.pipeline_mode<synchronous>, transform_indices = @transform_4, window_bounds = array<i64: 1, 1>}]} {
    %get3A = arith.constant 0 : index
    %get3A_0 = arith.constant 0 : index
    %get3A_1 = vector.load %arg1[%get3A, %get3A_0] : memref<256x128xf32, #tpu.memory_space<vmem>>, vector<256x128xf32>
    %mul3A = arith.mulf %get3A_1, %get3A_1 : vector<256x128xf32>
    %reduce_sum3A = arith.constant dense<0.000000e+00> : vector<256xf32>
    %reduce_sum3A_2 = vector.multi_reduction <add>, %mul3A, %reduce_sum3A [1] : vector<256x128xf32> to vector<256xf32>
    %broadcast_in_dim3A = vector.shape_cast %reduce_sum3A_2 : vector<256xf32> to vector<256x1xf32>
    %sqrt3A = math.sqrt %broadcast_in_dim3A : vector<256x1xf32>
    %max3A = arith.constant 9.99999996E-13 : f32
    %max3A_3 = vector.broadcast %max3A : f32 to vector<256x1xf32>
    %max3A_4 = arith.maximumf %sqrt3A, %max3A_3 : vector<256x1xf32>
    %div3A = vector.broadcast %max3A_4 : vector<256x1xf32> to vector<256x128xf32>
    %div3A_5 = arith.divf %get3A_1, %div3A : vector<256x128xf32>
    %get3A_6 = arith.constant 0 : index
    %get3A_7 = arith.constant 0 : index
    %get3A_8 = arith.constant 0 : index
    %get3A_9 = vector.load %arg2[%get3A_6, %get3A_7, %get3A_8] : memref<2x5120x128xf32, #tpu.memory_space<vmem>>, vector<1x5120x128xf32>
    %get3A_10 = vector.shape_cast %get3A_9 : vector<1x5120x128xf32> to vector<5120x128xf32>
    %get3A_11 = arith.constant 1 : index
    %get3A_12 = arith.constant 0 : index
    %get3A_13 = arith.constant 0 : index
    %get3A_14 = vector.load %arg2[%get3A_11, %get3A_12, %get3A_13] : memref<2x5120x128xf32, #tpu.memory_space<vmem>>, vector<1x5120x128xf32>
    %get3A_15 = vector.shape_cast %get3A_14 : vector<1x5120x128xf32> to vector<5120x128xf32>
    %add3A = arith.addf %get3A_10, %get3A_15 : vector<5120x128xf32>
    %dot_general3A = arith.constant dense<0.000000e+00> : vector<256x5120xf32>
    %dot_general3A_16 = tpu.matmul %div3A_5, %add3A, %dot_general3A {dimension_numbers = #tpu.dot_dimension_numbers<[1], [1], [0], [0], [0, 0, 1, 0], [], []>, transpose_lhs_hint = false} : vector<256x128xf32>, vector<5120x128xf32>, vector<256x5120xf32> -> vector<256x5120xf32>
    %get3A_17 = arith.constant 0 : index
    %get3A_18 = arith.constant 0 : index
    %get3A_19 = vector.load %arg3[%get3A_17, %get3A_18] : memref<1x5120xf32, #tpu.memory_space<vmem>>, vector<1x5120xf32>
    %gt3A = arith.constant 0.000000e+00 : f32
    %gt3A_20 = vector.broadcast %gt3A : f32 to vector<1x5120xf32>
    %gt3A_21 = arith.cmpf ogt, %get3A_19, %gt3A_20 : vector<1x5120xf32>
    %convert_element_type3A = arith.extui %gt3A_21 : vector<1x5120xi1> to vector<1x5120xi32>
    %convert_element_type3A_22 = arith.sitofp %convert_element_type3A : vector<1x5120xi32> to vector<1x5120xf32>
    %div3A_23 = arith.constant 5.000000e-02 : f32
    %div3A_24 = vector.broadcast %div3A_23 : f32 to vector<256x5120xf32>
    %div3A_25 = arith.divf %dot_general3A_16, %div3A_24 : vector<256x5120xf32>
    %max3A_26 = arith.constant 1.000000e+00 : f32
    %max3A_27 = vector.broadcast %max3A_26 : f32 to vector<1x5120xf32>
    %max3A_28 = arith.maximumf %get3A_19, %max3A_27 : vector<1x5120xf32>
    %div3A_29 = vector.broadcast %max3A_28 : vector<1x5120xf32> to vector<256x5120xf32>
    %div3A_30 = arith.divf %div3A_25, %div3A_29 : vector<256x5120xf32>
    %exp3A = math.exp %div3A_30 : vector<256x5120xf32>
    %mul3A_31 = vector.broadcast %convert_element_type3A_22 : vector<1x5120xf32> to vector<256x5120xf32>
    %mul3A_32 = arith.mulf %exp3A, %mul3A_31 : vector<256x5120xf32>
    %get3A_33 = arith.constant 0 : index
    %get3A_34 = arith.constant 0 : index
    %get3A_35 = arith.constant 0 : index
    %get3A_36 = vector.load %arg4[%get3A_33, %get3A_34, %get3A_35] : memref<1x256x1xi32, #tpu.memory_space<vmem>>, vector<1x256x1xi32>
    %get3A_37 = vector.shape_cast %get3A_36 : vector<1x256x1xi32> to vector<256x1xi32>
    %iota3A = tpu.iota {dimensions = array<i32: 1>} : vector<256x5120xi32>
    %eq3A = vector.broadcast %get3A_37 : vector<256x1xi32> to vector<256x5120xi32>
    %eq3A_38 = arith.cmpi eq, %iota3A, %eq3A : vector<256x5120xi32>
    %jit3A = arith.constant 0.000000e+00 : f32
    %broadcast_in_dim3A_39 = vector.broadcast %jit3A : f32 to vector<256x5120xf32>
    %select_n3A = arith.select %eq3A_38, %mul3A_32, %broadcast_in_dim3A_39 : vector<256x5120xi1>, vector<256x5120xf32>
    %reduce_sum3A_40 = arith.constant dense<0.000000e+00> : vector<256xf32>
    %reduce_sum3A_41 = vector.multi_reduction <add>, %select_n3A, %reduce_sum3A_40 [1] : vector<256x5120xf32> to vector<256xf32>
    %broadcast_in_dim3A_42 = vector.shape_cast %reduce_sum3A_41 : vector<256xf32> to vector<256x1xf32>
    %jit3A_43 = arith.constant 0.000000e+00 : f32
    %broadcast_in_dim3A_44 = vector.broadcast %jit3A_43 : f32 to vector<256x5120xf32>
    %select_n3A_45 = arith.select %eq3A_38, %broadcast_in_dim3A_44, %mul3A_32 : vector<256x5120xi1>, vector<256x5120xf32>
    %reduce_sum3A_46 = arith.constant dense<0.000000e+00> : vector<256xf32>
    %reduce_sum3A_47 = vector.multi_reduction <add>, %select_n3A_45, %reduce_sum3A_46 [1] : vector<256x5120xf32> to vector<256xf32>
    %broadcast_in_dim3A_48 = vector.shape_cast %reduce_sum3A_47 : vector<256xf32> to vector<256x1xf32>
    %mul3A_49 = arith.constant 1.000000e-01 : f32
    %mul3A_50 = vector.broadcast %mul3A_49 : f32 to vector<256x1xf32>
    %mul3A_51 = arith.mulf %mul3A_50, %broadcast_in_dim3A_48 : vector<256x1xf32>
    %broadcast_in_dim3A_52 = arith.constant 0.000000e+00 : f32
    %broadcast_in_dim3A_53 = vector.broadcast %broadcast_in_dim3A_52 : f32 to vector<256x1xf32>
    %reduce_max3A = arith.constant dense<0xFF800000> : vector<256xf32>
    %reduce_max3A_54 = vector.multi_reduction <maximumf>, %select_n3A_45, %reduce_max3A [1] : vector<256x5120xf32> to vector<256xf32>
    %broadcast_in_dim3A_55 = vector.shape_cast %reduce_max3A_54 : vector<256xf32> to vector<256x1xf32>
    %mul3A_56 = arith.constant 1.001000e+00 : f32
    %mul3A_57 = vector.broadcast %mul3A_56 : f32 to vector<256x1xf32>
    %mul3A_58 = arith.mulf %broadcast_in_dim3A_55, %mul3A_57 : vector<256x1xf32>
    %add3A_59 = arith.constant 9.99999968E-21 : f32
    %add3A_60 = vector.broadcast %add3A_59 : f32 to vector<256x1xf32>
    %add3A_61 = arith.addf %mul3A_58, %add3A_60 : vector<256x1xf32>
    %scan3A = arith.constant 0 : i32
    %scan3A_62 = arith.constant 16 : i32
    %scan3A_63 = arith.addi %scan3A, %scan3A_62 : i32
    %scan3A_64 = arith.constant 1 : i32
    %scan3A_65:2 = scf.for %scan3A_128 = %scan3A to %scan3A_63 step %scan3A_64 iter_args(%scan3A_129 = %broadcast_in_dim3A_53, %scan3A_130 = %add3A_61) -> (vector<256x1xf32>, vector<256x1xf32>)  : i32 {
      %add3A_131 = arith.addf %scan3A_129, %scan3A_130 : vector<256x1xf32>
      %mul3A_132 = arith.constant 5.000000e-01 : f32
      %mul3A_133 = vector.broadcast %mul3A_132 : f32 to vector<256x1xf32>
      %mul3A_134 = arith.mulf %mul3A_133, %add3A_131 : vector<256x1xf32>
      %ge3A_135 = vector.broadcast %mul3A_134 : vector<256x1xf32> to vector<256x5120xf32>
      %ge3A_136 = arith.cmpf oge, %select_n3A_45, %ge3A_135 : vector<256x5120xf32>
      %jit3A_137 = arith.constant 0.000000e+00 : f32
      %broadcast_in_dim3A_138 = vector.broadcast %jit3A_137 : f32 to vector<256x5120xf32>
      %select_n3A_139 = arith.select %ge3A_136, %select_n3A_45, %broadcast_in_dim3A_138 : vector<256x5120xi1>, vector<256x5120xf32>
      %reduce_sum3A_140 = arith.constant dense<0.000000e+00> : vector<256xf32>
      %reduce_sum3A_141 = vector.multi_reduction <add>, %select_n3A_139, %reduce_sum3A_140 [1] : vector<256x5120xf32> to vector<256xf32>
      %broadcast_in_dim3A_142 = vector.shape_cast %reduce_sum3A_141 : vector<256xf32> to vector<256x1xf32>
      %ge3A_143 = arith.cmpf oge, %broadcast_in_dim3A_142, %mul3A_51 : vector<256x1xf32>
      %select_n3A_144 = arith.select %ge3A_143, %mul3A_134, %scan3A_129 : vector<256x1xi1>, vector<256x1xf32>
      %select_n3A_145 = arith.select %ge3A_143, %scan3A_130, %mul3A_134 : vector<256x1xi1>, vector<256x1xf32>
      scf.yield %select_n3A_144, %select_n3A_145 : vector<256x1xf32>, vector<256x1xf32>
    }
    %lt3A = vector.broadcast %scan3A_65#1 : vector<256x1xf32> to vector<256x5120xf32>
    %lt3A_66 = arith.cmpf olt, %select_n3A_45, %lt3A : vector<256x5120xf32>
    %jit3A_67 = arith.constant -1.000000e+00 : f32
    %broadcast_in_dim3A_68 = vector.broadcast %jit3A_67 : f32 to vector<256x5120xf32>
    %select_n3A_69 = arith.select %lt3A_66, %select_n3A_45, %broadcast_in_dim3A_68 : vector<256x5120xi1>, vector<256x5120xf32>
    %reduce_max3A_70 = arith.constant dense<0xFF800000> : vector<256xf32>
    %reduce_max3A_71 = vector.multi_reduction <maximumf>, %select_n3A_69, %reduce_max3A_70 [1] : vector<256x5120xf32> to vector<256xf32>
    %broadcast_in_dim3A_72 = vector.shape_cast %reduce_max3A_71 : vector<256xf32> to vector<256x1xf32>
    %ge3A = vector.broadcast %broadcast_in_dim3A_72 : vector<256x1xf32> to vector<256x5120xf32>
    %ge3A_73 = arith.cmpf oge, %select_n3A_45, %ge3A : vector<256x5120xf32>
    %jit3A_74 = arith.constant 0.000000e+00 : f32
    %broadcast_in_dim3A_75 = vector.broadcast %jit3A_74 : f32 to vector<256x5120xf32>
    %select_n3A_76 = arith.select %ge3A_73, %select_n3A_45, %broadcast_in_dim3A_75 : vector<256x5120xi1>, vector<256x5120xf32>
    %reduce_sum3A_77 = arith.constant dense<0.000000e+00> : vector<256xf32>
    %reduce_sum3A_78 = vector.multi_reduction <add>, %select_n3A_76, %reduce_sum3A_77 [1] : vector<256x5120xf32> to vector<256xf32>
    %broadcast_in_dim3A_79 = vector.shape_cast %reduce_sum3A_78 : vector<256xf32> to vector<256x1xf32>
    %gt3A_80 = vector.broadcast %broadcast_in_dim3A_72 : vector<256x1xf32> to vector<256x5120xf32>
    %gt3A_81 = arith.cmpf ogt, %select_n3A_45, %gt3A_80 : vector<256x5120xf32>
    %jit3A_82 = arith.constant 3.000000e+38 : f32
    %broadcast_in_dim3A_83 = vector.broadcast %jit3A_82 : f32 to vector<256x5120xf32>
    %select_n3A_84 = arith.select %gt3A_81, %select_n3A_45, %broadcast_in_dim3A_83 : vector<256x5120xi1>, vector<256x5120xf32>
    %reduce_min3A = arith.constant dense<0x7F800000> : vector<256xf32>
    %reduce_min3A_85 = vector.multi_reduction <minimumf>, %select_n3A_84, %reduce_min3A [1] : vector<256x5120xf32> to vector<256xf32>
    %broadcast_in_dim3A_86 = vector.shape_cast %reduce_min3A_85 : vector<256xf32> to vector<256x1xf32>
    %sub3A = arith.subf %broadcast_in_dim3A_79, %broadcast_in_dim3A_72 : vector<256x1xf32>
    %lt3A_87 = arith.constant 9.99999968E+37 : f32
    %lt3A_88 = vector.broadcast %lt3A_87 : f32 to vector<256x1xf32>
    %lt3A_89 = arith.cmpf olt, %broadcast_in_dim3A_86, %lt3A_88 : vector<256x1xf32>
    %sub3A_90 = arith.subf %mul3A_51, %sub3A : vector<256x1xf32>
    %sub3A_91 = arith.subf %broadcast_in_dim3A_79, %mul3A_51 : vector<256x1xf32>
    %le3A = arith.cmpf ole, %sub3A_90, %sub3A_91 : vector<256x1xf32>
    %and3A = arith.andi %lt3A_89, %le3A : vector<256x1xi1>
    %select_n3A_92 = arith.select %and3A, %broadcast_in_dim3A_86, %broadcast_in_dim3A_72 : vector<256x1xi1>, vector<256x1xf32>
    %ge3A_93 = vector.broadcast %select_n3A_92 : vector<256x1xf32> to vector<256x5120xf32>
    %ge3A_94 = arith.cmpf oge, %select_n3A_45, %ge3A_93 : vector<256x5120xf32>
    %jit3A_95 = arith.constant 0.000000e+00 : f32
    %broadcast_in_dim3A_96 = vector.broadcast %jit3A_95 : f32 to vector<256x5120xf32>
    %select_n3A_97 = arith.select %ge3A_94, %select_n3A_45, %broadcast_in_dim3A_96 : vector<256x5120xi1>, vector<256x5120xf32>
    %reduce_sum3A_98 = arith.constant dense<0.000000e+00> : vector<256xf32>
    %reduce_sum3A_99 = vector.multi_reduction <add>, %select_n3A_97, %reduce_sum3A_98 [1] : vector<256x5120xf32> to vector<256xf32>
    %broadcast_in_dim3A_100 = vector.shape_cast %reduce_sum3A_99 : vector<256xf32> to vector<256x1xf32>
    %add3A_101 = arith.addf %broadcast_in_dim3A_42, %broadcast_in_dim3A_100 : vector<256x1xf32>
    %add3A_102 = arith.constant 9.99999997E-7 : f32
    %add3A_103 = vector.broadcast %add3A_102 : f32 to vector<256x1xf32>
    %add3A_104 = arith.addf %add3A_101, %add3A_103 : vector<256x1xf32>
    %div3A_105 = arith.divf %broadcast_in_dim3A_42, %add3A_104 : vector<256x1xf32>
    %add3A_106 = arith.constant 9.99999997E-7 : f32
    %add3A_107 = vector.broadcast %add3A_106 : f32 to vector<256x1xf32>
    %add3A_108 = arith.addf %div3A_105, %add3A_107 : vector<256x1xf32>
    %log3A = math.log %add3A_108 : vector<256x1xf32>
    %neg3A = arith.constant 0.000000e+00 : f32
    %neg3A_109 = vector.broadcast %neg3A : f32 to vector<256x1xf32>
    %neg3A_110 = arith.subf %neg3A_109, %log3A : vector<256x1xf32>
    %reduce_sum3A_111 = vector.shape_cast %neg3A_110 : vector<256x1xf32> to vector<1x256x1xf32>
    %reduce_sum3A_112 = arith.constant dense<0.000000e+00> : vector<1xf32>
    %reduce_sum3A_113 = vector.multi_reduction <add>, %reduce_sum3A_111, %reduce_sum3A_112 [1, 2] : vector<1x256x1xf32> to vector<1xf32>
    %reduce_sum3A_114 = vector.shape_cast %reduce_sum3A_113 : vector<1xf32> to vector<1x1x1xf32>
    %reduce_sum3A_115 = vector.extract %reduce_sum3A_114[0, 0, 0] : f32 from vector<1x1x1xf32>
    %mul3A_116 = arith.constant 9.765625E-4 : f32
    %mul3A_117 = arith.mulf %reduce_sum3A_115, %mul3A_116 : f32
    %eq3A_118 = arith.constant 0 : i32
    %eq3A_119 = arith.cmpi eq, %arg0, %eq3A_118 : i32
    %convert_element_type3A_120 = arith.extui %eq3A_119 : i1 to i32
    %cond3A = arith.constant 0 : i32
    %cond3A_121 = arith.cmpi ne, %convert_element_type3A_120, %cond3A : i32
    scf.if %cond3A_121 {
      %broadcast_in_dim3A_128 = arith.constant 0.000000e+00 : f32
      %broadcast_in_dim3A_129 = vector.broadcast %broadcast_in_dim3A_128 : f32 to vector<1x1xf32>
      %swap3A_130 = arith.constant 0 : index
      %swap3A_131 = arith.constant 0 : index
      %swap3A_132 = vector.load %arg5[%swap3A_130, %swap3A_131] : memref<1x1xf32, #tpu.memory_space<vmem>>, vector<1x1xf32>
      tpu.vector_store %arg5[%swap3A_130, %swap3A_131], %broadcast_in_dim3A_129 {strides = array<i32>} : memref<1x1xf32, #tpu.memory_space<vmem>>, vector<1x1xf32>,
    } else {
    }
    %get3A_122 = arith.constant 0 : index
    %get3A_123 = arith.constant 0 : index
    %get3A_124 = vector.load %arg5[%get3A_122, %get3A_123] : memref<1x1xf32, #tpu.memory_space<vmem>>, vector<1x1xf32>
    %reshape3A = vector.broadcast %mul3A_117 : f32 to vector<1x1xf32>
    %add3A_125 = arith.addf %get3A_124, %reshape3A : vector<1x1xf32>
    %swap3A = arith.constant 0 : index
    %swap3A_126 = arith.constant 0 : index
    %swap3A_127 = vector.load %arg5[%swap3A, %swap3A_126] : memref<1x1xf32, #tpu.memory_space<vmem>>, vector<1x1xf32>
    tpu.vector_store %arg5[%swap3A, %swap3A_126], %add3A_125 {strides = array<i32>} : memref<1x1xf32, #tpu.memory_space<vmem>>, vector<1x1xf32>,
    return
  }
  func.func @transform_0(%arg0: i32) -> (i32, i32) {
    %c0_i32 = arith.constant 0 : i32
    %c0_i32_0 = arith.constant 0 : i32
    return %arg0, %c0_i32 : i32, i32
  }
  func.func @transform_1(%arg0: i32) -> (i32, i32, i32) {
    %c0_i32 = arith.constant 0 : i32
    %c0_i32_0 = arith.constant 0 : i32
    %c0_i32_1 = arith.constant 0 : i32
    %c0_i32_2 = arith.constant 0 : i32
    return %c0_i32, %c0_i32_0, %c0_i32_1 : i32, i32, i32
  }
  func.func @transform_2(%arg0: i32) -> (i32, i32) {
    %c0_i32 = arith.constant 0 : i32
    %c0_i32_0 = arith.constant 0 : i32
    %c0_i32_1 = arith.constant 0 : i32
    return %c0_i32, %c0_i32_0 : i32, i32
  }
  func.func @transform_3(%arg0: i32) -> (i32, i32, i32) {
    %c0_i32 = arith.constant 0 : i32
    %c0_i32_0 = arith.constant 0 : i32
    %c0_i32_1 = arith.constant 0 : i32
    return %arg0, %c0_i32, %c0_i32_0 : i32, i32, i32
  }
  func.func @transform_4(%arg0: i32) -> (i32, i32) {
    %c0_i32 = arith.constant 0 : i32
    %c0_i32_0 = arith.constant 0 : i32
    %c0_i32_1 = arith.constant 0 : i32
    return %c0_i32, %c0_i32_0 : i32, i32
  }
}

</mosaic_0001>

<sc_bundles>
// kernel: kernel.4.cloned.1.call-start
scs
__scs_entry_jumppad:
0x0: {  	(pc) =	sbr.rel $0x88, $3  }
0x1: {  	(tag) =	ssettag $0x0;
	lr =	simm.s32 $0x1  }
0x2: {  	[smem:$0x3F9D] =	sst lr;
	_ =	strace $0xD0000000  }
0x3: {  	_ = 	snop  }
0x4: {  	_ = 	snop  }
0x5: {  	_ = 	snop  }
0x6: {  	_ = 	snop  }
0x7: {  	_ = 	snop  }
__scs_overlays_trampoline_lowered:
0x8: {  	[smem:$0x3FAC] =	sst s0  }
0x9: {  	[smem:$0x3FAD] =	sst s1  }
0xa: {  	[smem:$0x3FAE] =	sst s2  }
0xb: {  	[smem:$0x3FAF] =	sst s3  }
0xc: {  	[smem:$0x3FB0] =	sst s4  }
0xd: {  	[smem:$0x3FB1] =	sst s5  }
0xe: {  	[smem:$0x3FB2] =	sst s6  }
0xf: {  	[smem:$0x3FB3] =	sst s7  }
0x10: {  	[smem:$0x3FB4] =	sst s8  }
0x11: {  	[smem:$0x3FB5] =	sst s9;
	s0 =	simm.s32 @!p0 $0x0  }
0x12: {  	s1 =	sld [smem:$0x3F9B];
	s0 =	simm.s32 @p0 $0x1  }
0x13: {  	[smem:$0x3FB6] =	sst s0;
	s0 =	simm.s32 @!p1 $0x0  }
0x14: {  	s2 =	sld [smem:$0x3F9A];
	s0 =	simm.s32 @p1 $0x1  }
0x15: {  	[smem:$0x3FB7] =	sst s0;
	s0 =	simm.s32 @!p2 $0x0  }
0x16: {  	s3 =	sld [smem:$0x3FDB];
	s0 =	simm.s32 @p2 $0x1  }
0x17: {  	s4 =	simm.s32 $0x1BF5;
	[smem:$0x3FB9] =	sst s0  }
0x18: {  	s0 =	sld [smem:$0x3F9C];
	_ =	swait.ge [sflag:s4], $0x0  }
0x19: {  	s7 =	sld [smem:$0x3F9D]  }
0x1a: {  	s8 =	sadd.s32 $0xFFFFE003, lr  }
0x1b: {  	s9 =	sadd.s32 $0xFFFFFEF7, lr;
	s5 =	simm.s32 $0xFFFFFFFF;
	p2 =	slt.u32 s8, $0xFFFFF086  }
0x1c: {  	p1 =	slt.u32 s9, $0xF7A;
	s5 =	simm.s32 @!p2 $0x0  }
0x1d: {  	s5 =	simm.s32 @p1 $0x1;
	p0 =	seq.s32 s7, s2  }
0x1e: {  	s7 =	smul.u32 @!p0 $0xF7A, s2;
	p2 =	seq.s32 @!p0 s5, $0x0  }
0x1f: {  	s9 =	smul.u32 $0xF7A, s1;
	s8 =	simm.s32 @!p0 $0x1BF5;
	p2 =	por !p2, p0  }
0x20: {  	[sflag:s8] =	ssyncset.s32 @!p0 $0xFFFFF086;
	s6 =	sadd.s32 @!p0 s3, s7;
	s7 =	simm.s32 @!p0 $0x108  }
0x21: {  	s3 =	sadd.s32 s3, s9;
	s6 =	sadd.s32 @!p0 $0x88, s6;
	s7 =	simm.s32 @p2 $0x1082  }
0x22: {  	[simem:s7], [sflag:s8] =	dma.local @!p0 [hbm:s6], $0xF7A  }
0x23: {  	s9 =	sor.u32 $0xD0000000, s2;
	s6 =	simm.s32 $0x108;
	_ =	swait.ge @!p0 [sflag:s8], $0x0  }
0x24: {  	s3 =	sadd.s32 $0x88, s3;
	s6 =	simm.s32 @!p1 $0x1082;
	[sflag:s4] =	ssyncset.s32 $0xFFFFF086  }
0x25: {  	[simem:s6], [sflag:s4] =	dma.local [hbm:s3], $0xF7A  }
0x26: {  	[smem:$0x3F9D] =	sst s1;
	(tag) =	ssettag s2;
	_ =	strace s9  }
0x27: {  	s1 =	sld [smem:$0x3FAD]  }
0x28: {  	s2 =	sld [smem:$0x3FAE]  }
0x29: {  	s4 =	sld [smem:$0x3FB0]  }
0x2a: {  	p0 =	seq.s32 s5, $0x0;
	s5 =	sld [smem:$0x3FB1]  }
0x2b: {  	s6 =	sld [smem:$0x3FB2]  }
0x2c: {  	s7 =	sld [smem:$0x3FB3]  }
0x2d: {  	s3 =	simm.s32 $0x108;
	s8 =	sld [smem:$0x3FB4]  }
0x2e: {  	s3 =	simm.s32 @!p0 $0x1082;
	s9 =	sld [smem:$0x3FB5]  }
0x2f: {  	lr =	sadd.s32 s0, s3;
	s0 =	sld [smem:$0x3FAC]  }
0x30: {  	s3 =	sld [smem:$0x3FAF]  }
0x31: {  	[smem:$0x3FB8] =	sst s10  }
0x32: {  	s10 =	sld [smem:$0x3FB6];
	_ =	sdelay $0x3  }
0x33: {  	p0 =	seq.s32 s10, $0x1;
	s10 =	sld [smem:$0x3FB8];
	_ =	sdelay $0x3  }
0x34: {  	[smem:$0x3FB8] =	sst s10  }
0x35: {  	s10 =	sld [smem:$0x3FB7];
	_ =	sdelay $0x3  }
0x36: {  	p1 =	seq.s32 s10, $0x1;
	s10 =	sld [smem:$0x3FB8];
	_ =	sdelay $0x3  }
0x37: {  	[smem:$0x3FB8] =	sst s10  }
0x38: {  	s10 =	sld [smem:$0x3FB9]  }
0x39: {  	_ = 	snop;
	(pc) =	sbr.ind lr, $3  }
0x3a: {  	_ = 	snop  }
0x3b: {  	_ = 	snop  }
0x3c: {  	p2 =	seq.s32 s10, $0x1;
	s10 =	sld [smem:$0x3FB8]  }
0x3d: {  	_ =	shalt  }
0x3e: {  	_ =	shalt  }
0x3f: {  	_ =	shalt  }
0x40: {  	_ =	shalt  }
0x41: {  	_ =	shalt  }
0x42: {  	_ =	shalt  }
0x43: {  	_ =	shalt  }
0x44: {  	_ =	shalt  }
0x45: {  	_ =	shalt  }
0x46: {  	_ =	shalt  }
0x47: {  	_ =	shalt  }
0x48: {  	_ =	shalt  }
0x49: {  	_ =	shalt  }
0x4a: {  	_ =	shalt  }
0x4b: {  	_ =	shalt  }
0x4c: {  	_ =	shalt  }
0x4d: {  	_ =	shalt  }
0x4e: {  	_ =	shalt  }
0x4f: {  	_ =	shalt  }
0x50: {  	_ =	shalt  }
0x51: {  	_ =	shalt  }
0x52: {  	_ =	shalt  }
0x53: {  	_ =	shalt  }
0x54: {  	_ =	shalt  }
0x55: {  	_ =	shalt  }
0x56: {  	_ =	shalt  }
0x57: {  	_ =	shalt  }
0x58: {  	_ =	shalt  }
0x59: {  	_ =	shalt  }
0x5a: {  	_ =	shalt  }
0x5b: {  	_ =	shalt  }
0x5c: {  	_ =	shalt  }
0x5d: {  	_ =	shalt  }
0x5e: {  	_ =	shalt  }
0x5f: {  	_ =	shalt  }
0x60: {  	_ =	shalt  }
0x61: {  	_ =	shalt  }
0x62: {  	_ =	shalt  }
0x63: {  	_ =	shalt  }
0x64: {  	_ =	shalt  }
0x65: {  	_ =	shalt  }
0x66: {  	_ =	shalt  }
0x67: {  	_ =	shalt  }
0x68: {  	_ =	shalt  }
0x69: {  	_ =	shalt  }
0x6a: {  	_ =	shalt  }
0x6b: {  	_ =	shalt  }
0x6c: {  	_ =	shalt  }
0x6d: {  	_ =	shalt  }
0x6e: {  	_ =	shalt  }
0x6f: {  	_ =	shalt  }
0x70: {  	_ =	shalt  }
0x71: {  	_ =	shalt  }
0x72: {  	_ =	shalt  }
0x73: {  	_ =	shalt  }
0x74: {  	_ =	shalt  }
0x75: {  	_ =	shalt  }
0x76: {  	_ =	shalt  }
0x77: {  	_ =	shalt  }
0x78: {  	_ =	shalt  }
0x79: {  	_ =	shalt  }
0x7a: {  	_ =	shalt  }
0x7b: {  	_ =	shalt  }
0x7c: {  	_ =	shalt  }
0x7d: {  	_ =	shalt  }
0x7e: {  	_ =	shalt  }
0x7f: {  	_ =	shalt  }
0x80: {  	_ =	shalt  }
0x81: {  	_ =	shalt  }
0x82: {  	_ =	shalt  }
0x83: {  	_ =	shalt  }
0x84: {  	_ =	shalt  }
0x85: {  	_ =	shalt  }
0x86: {  	_ =	shalt  }
0x87: {  	_ =	shalt  }
.Lfunc_end0:
.L_simem_size_0:
called_computation_lowered:
.L_overlay_start_0:
0x88: {  	s2 =	sld [smem:$0x3FD9]  }
0x89: {  	s3 =	sld [smem:$0x3FFE];
	_ =	sdelay $0x1  }
0x8a: {  	s1 =	srdreg.scid  }
0x8b: {  	s0 =	sand.u32 $0x1, s1  }
0x8c: {  	s17 =	sshll.u32 s0, $0xA;
	s2 =	sadd.s32 s3, s2  }
0x8d: {  	s2 =	sadd.s32 s2, s17  }
0x8e: {  	[smem:$0x3FC4] =	sst s2  }
0x8f: {  	_ = 	snop  }
0x90: {  	s2 =	sld [smem:$0x3FC8]  }
0x91: {  	s18 =	sld [smem:$0x3FC7]  }
0x92: {  	s4 =	sld [smem:$0x3FC6];
	(tm) =	ssettm $0x1  }
0x93: {  	s5 =	sld [smem:$0x3FFB];
	_ =	sdelay $0x3  }
0x94: {  	_ =	strace s5  }
0x95: {  	s5 =	sld [smem:$0x3FFC];
	_ =	sdelay $0x3  }
0x96: {  	_ =	strace s5  }
0x97: {  	s5 =	sld [smem:$0x3FFD];
	_ =	sdelay $0x3  }
0x98: {  	_ =	strace s5  }
0x99: {  	_ =	strace $0x8FFFFFFF  }
0x9a: {  	s19 =	sld [smem:$0x3FDB];
	_ =	sdelay $0x1  }
0x9b: {  	s6 =	simm.s32 $_scs_section_size  }
0x9c: {  	s7 =	simm.s32 $_size__tile_overlayer_lowered;
	s8 =	simm.s32 $_tile_overlayer_lowered  }
0x9d: {  	s22 =	simm.s32 $0x1BFF;
	s21 =	sshll.u32 s8, $0x1;
	s5 =	sadd.s32 s6, s19  }
0x9e: {  	s9 =	simm.s32 $0x0;
	s20 =	sshll.u32 s7, $0x1;
	s7 =	sadd.s32 s21, s5  }
0x9f: {  	[timem:s9], [sflag:s22] =	dma.local [hbm:s7], s20  }
0xa0: {  	_ =	swait.ge [sflag:s22], s20  }
0xa1: {  	s6 =	ssub.s32 $0x0, s20;
	[sflag:s22] =	ssyncset.done $0x0  }
0xa2: {  	[sflag:s22] =	ssyncadd.s32 s6;
	_ =	sdelay $0x1  }
0xa3: {  	s23 =	simm.s32 $0x1B8B  }
0xa4: {  	_ =	swait.ge [sflag:s23], $0x1  }
0xa5: {  	[sflag:s23] =	ssyncset.done $0x0  }
0xa6: {  	s25 =	simm.s32 $0x1B8E;
	s24 =	sld [smem:$0x3FFE];
	[sflag:s23] =	ssyncadd.s32 $0xFFFFFFFF  }
0xa7: {  	s26 =	simm.s32 $execute0_lowered;
	[smem:$0x3FD2] =	sst s25  }
0xa8: {  	s7 =	sshll.u32 s26, $0x1;
	_ =	strace $0x80000046;
	[dreg:$0x1] =	wrdreg $0xFFFFFFFF  }
0xa9: {  	s28 =	simm.s32 $_size_execute0_lowered;
	s5 =	sadd.s32 s5, s7;
	[dreg:$0x0] =	wrdreg $0x0  }
0xaa: {  	s7 =	sshll.u32 s28, $0x1;
	[dreg:$0x2] =	wrdreg s5  }
0xab: {  	[dreg:$0x3] =	wrdreg s7  }
0xac: {  	[dreg:$0x4] =	wrdreg $0xC0  }
0xad: {  	_ =	task [dreg:s9], $0x5FFFF  }
0xae: {  	[dreg:$0x1] =	wrdreg $0xFFFFFFFF  }
0xaf: {  	[dreg:$0x0] =	wrdreg $0x60  }
0xb0: {  	[dreg:$0x2] =	wrdreg s18  }
0xb1: {  	[dreg:$0x3] =	wrdreg s4  }
0xb2: {  	[dreg:$0x4] =	wrdreg s2  }
0xb3: {  	[dreg:$0x5] =	wrdreg s24  }
0xb4: {  	[dreg:$0x6] =	wrdreg $0xB2800  }
0xb5: {  	[dreg:$0x7] =	wrdreg $0x152800  }
0xb6: {  	[dreg:$0x8] =	wrdreg $0x9  }
0xb7: {  	_ =	task.clear_ibuf [dreg:s9], $0x9FFFF;
	_ =	strace $0x90000046  }
0xb8: {  	s29 =	simm.s32 $0x9;
	_ =	strace $0x80000048  }
0xb9: {  	_ =	swait.ge [sflag:s29], $0x1  }
0xba: {  	[sflag:s29] =	ssyncadd.s32 $0xFFFFFFFF  }
0xbb: {  	_ =	strace $0x90000048  }
0xbc: {  	_ =	sfence  }
0xbd: {  	s30 =	sld [smem:$0x0];
	_ =	sdelay $0x2  }
0xbe: {  	s31 =	sshll.u32 s1, $0xD;
	s1 =	sshrl.u32 s1, $0x2  }
0xbf: {  	s3 =	sand.u32 $0x4000, s31;
	s1 =	sadd.s32 s1, s30  }
0xc0: {  	s0 =	sor.u32 s3, s0;
	s1 =	sshll.u32 s1, $0x11  }
0xc1: {  	s0 =	sor.u32 s1, s0  }
0xc2: {  	s0 =	sadd.s32 $0x8F2B, s0  }
0xc3: {  	[sflag:s0] =	ssyncadd.remote.s32 $0x1  }
0xc4: {  	_ =	sfence.sel $0xFFFF  }
0xc5: {  	[dreg:$0x0] =	wrdreg $0xFFFFFFFF;
	(pc) =	sbr.abs _section_cstart, $3  }
0xc6: {  	[dreg:$0x1] =	wrdreg $0xFFFFFFFF  }
0xc7: {  	_ =	task.clear_ibuf [dreg:s9], $0x2FFFF;
	_ =	strace $0x9FFFFFFF  }
0xc8: {  	(tm) =	ssettm $0x7FFFFFFF  }
0xc9: {  	_ =	shalt  }
tec
execute0_lowered:
.L_overlay_start_1:
0x0: {  	(tag) =	ssettag $0x1  }
0x1: {  	s0 =	rddreg [dreg:$0x0]  }
0x2: {  	s1 =	rddreg [dreg:$0x1]  }
0x3: {  	s17 =	rddreg [dreg:$0x2]  }
0x4: {  	s2 =	rddreg [dreg:$0x3]  }
0x5: {  	s3 =	srdreg.scid;
	s4 =	rddreg [dreg:$0x4]  }
0x6: {  	s16 =	stileid.u32;
	s5 =	rddreg [dreg:$0x5]  }
0x7: {  	s6 =	simm.s32 $0x0;
	s29 =	simm.s32 $0x3;
	s7 =	smul.u32 $0xA000, s16  }
0x8: {  	s30 =	simm.s32 $0x8180;
	s28 =	simm.s32 $0x80;
	s25 =	smul.u32 $0x18, s16  }
0x9: {  	s3 =	sand.u32 $0x1, s3;
	s11 =	sshll.u32 s16, $0x1;
	s16 =	smul.u32 $0xC00, s16  }
0xa: {  	[smem:$0x7FF] =	sst s6;
	s12 =	sadd.s32 $0x28800, s2;
	s8 =	smul.u32 $0xA0000, s3  }
0xb: {  	_ =	strace $0x80000047;
	s9 =	ssub.s32 $0x2, s3;
	s26 =	smul.u32 $0xC, s3  }
0xc: {  	[dreg:$0x7] =	wrdreg s12;
	s11 =	sor.u32 s3, s11;
	s3 =	smul.u32 $0x600, s3  }
0xd: {  	s23 =	sshrl.u32 s9, $0x1;
	s13 =	sadd.s32 $0x3000, s7;
	s15 =	smul.u32 $0x600, s11  }
0xe: {  	s18 =	smul.u32 $0xC, s11;
	s22 =	sadd.s32 s16, s0;
	s16 =	sadd.s32 $0x30CC, s1  }
0xf: {  	s24 =	sadd.s32 $0x6000, s7;
	s14 =	sadd.s32 s13, s4;
	[dreg:$0x19] =	wrdreg s16  }
0x10: {  	p0 =	sgt.u32 s11, $0x10;
	s13 =	sadd.s32 s13, s5;
	[dreg:$0x8] =	wrdreg s14  }
0x11: {  	p1 =	seq.s32 s11, $0x11;
	s19 =	sadd.s32 s24, s4;
	[dreg:$0x9] =	wrdreg s13  }
0x12: {  	s8 =	sadd.s32 s7, s8;
	[dreg:$0xa] =	wrdreg s19;
	s13 =	sadd.s32 s24, s5  }
0x13: {  	s12 =	ssub.s32 s9, s23;
	s21 =	sadd.s32 s0, s15;
	[dreg:$0xb] =	wrdreg s13  }
0x14: {  	s9 =	sadd.s32 s7, s5;
	s23 =	sadd.s32 s1, s18;
	[dreg:$0xe] =	wrdreg s21  }
0x15: {  	s0 =	sadd.s32 $0x186600, s0;
	s24 =	sadd.s32 s3, s22;
	[dreg:$0xf] =	wrdreg s23  }
0x16: {  	s22 =	smax.u32 s12, $0x1;
	s12 =	sadd.s32 $0x28840, s2;
	[dreg:$0x10] =	wrdreg s0  }
0x17: {  	s8 =	sshrl.u32 s8, $0x3;
	s15 =	sadd.s32 $0x28860, s2;
	[dreg:$0x15] =	wrdreg s12  }
0x18: {  	s14 =	sadd.s32 s25, s1;
	s18 =	sadd.s32 $0x10, s17;
	[dreg:$0x17] =	wrdreg s15  }
0x19: {  	s19 =	sadd.s32 $0x20, s17;
	s10 =	sadd.s32 s8, s2;
	[dreg:$0x1a] =	wrdreg s18  }
0x1a: {  	s14 =	sadd.s32 s26, s14;
	s26 =	sadd.s32 $0x28810, s2;
	[dreg:$0x1b] =	wrdreg s19  }
0x1b: {  	s8 =	sadd.s32 s7, s4;
	s13 =	sadd.s32 $0x28850, s2;
	[dreg:$0x12] =	wrdreg s26  }
0x1c: {  	s7 =	sadd.s32 $0x9000, s7;
	s23 =	sadd.s32 $0x40, s17;
	[dreg:$0x16] =	wrdreg s13  }
0x1d: {  	s31 =	sadd.s32 $0xC000, s24;
	s24 =	sadd.s32 $0x50, s17;
	[dreg:$0x1d] =	wrdreg s23  }
0x1e: {  	p2 =	sne.s32 s11, $0x0;
	s20 =	sadd.s32 s7, s4;
	[dreg:$0x1e] =	wrdreg s24  }
0x1f: {  	s3 =	sor.u32 $0x40, s11;
	s7 =	sadd.s32 s7, s5;
	[dreg:$0xc] =	wrdreg s20  }
0x20: {  	s11 =	simm.s32 $0x0;
	s25 =	sadd.s32 $0x28A00, s10;
	[dreg:$0xd] =	wrdreg s7  }
0x21: {  	s21 =	sadd.s32 $0x800, s10;
	s10 =	sadd.s32 $0x28830, s2;
	[dreg:$0x11] =	wrdreg s25  }
0x22: {  	s19 =	simm.s32 $0x6080;
	s26 =	sadd.s32 $0x70, s17;
	[dreg:$0x14] =	wrdreg s10  }
0x23: {  	s0 =	simm.s32 $0xB180;
	s7 =	sadd.s32 $0x28820, s2;
	[smem:$0x7FD] =	sst s26  }
.Ltmp0:
0x24: {  	s2 =	sadd.s32 $0x28870, s2;
	[dreg:$0x13] =	wrdreg s7;
	(pc) =	sbr.rel .LBB2_1-.Ltmp0, $4  }
0x25: {  	s23 =	simm.s32 $0x1;
	s20 =	sadd.s32 $0x30, s17;
	[dreg:$0x18] =	wrdreg s2  }
0x26: {  	s24 =	simm.s32 $0x2;
	s25 =	sadd.s32 $0x60, s17;
	[dreg:$0x1c] =	wrdreg s20  }
0x27: {  	s26 =	simm.s32 $0x4;
	s10 =	simm.s32 $0xB200;
	[dreg:$0x1f] =	wrdreg s25  }
0x28: {  	v0 =	vimm.f32 $0.0e+00;
	v1 =	vimm.f32 $1.000000000e+00;
	s2 =	simm.s32 $0x6000;
	s7 =	simm.s32 $0x3000;
	s25 =	simm.s32 $0x60  }
.LBB2_10:
0x29: {  	s12 =	rddreg [dreg:$0x10];
	s13 =	simm.s32 $0x6100  }
0x2a: {  	[tilespmem:s13], [sflag:$0x3] =	stream.linear.gather [hbm4b:s12+s6], $0x2000, $0x38;
	[tilespmem:$0x1F280] =	vst v63  }
0x2b: {  	_ =	swait.ge [sflag:s29], $0x2000  }
0x2c: {  	[sflag:s29] =	ssyncset.done $0x0  }
0x2d: {  	s15 =	simm.s32 $0x8100;
	s18 =	rddreg [dreg:$0x19];
	[sflag:s29] =	ssyncadd.s32 $0xFFFFE000  }
0x2e: {  	[tilespmem:s15], [sflag:$0x3] =	stream.linear.gather [hbm4b:s18+s6], $0x40, $0x38;
	[tilespmem:$0x1F280] =	vst v63  }
0x2f: {  	_ =	swait.ge [sflag:s29], $0x40  }
0x30: {  	[sflag:s29] =	ssyncset.done $0x0  }
0x31: {  	s20 =	simm.s32 $0x40;
	[sflag:s29] =	ssyncadd.s32 $0xFFFFFFC0  }
0x32: {  	[spmem:s4] =	stream.indirect.scatter.add.f32 [tilespmem:s13], [sflag:$0x3], $0x80, s15, s20, $0xb8;
	[tilespmem:$0x1F280] =	vst v63  }
0x33: {  	_ =	swait.ge [sflag:s29], $0x2000  }
0x34: {  	[sflag:s29] =	ssyncset.done $0x0  }
0x35: {  	[sflag:s29] =	ssyncadd.s32 $0xFFFFE000  }
0x36: {  	[spmem:s5] =	stream.indirect.scatter.add.f32 [tilespmem:s30], [sflag:$0x3], $0x80, s15, s20, $0xb8;
	[tilespmem:$0x1F280] =	vst v63  }
0x37: {  	_ =	swait.ge [sflag:s29], $0x2000  }
0x38: {  	[sflag:s29] =	ssyncset.done $0x0  }
0x39: {  	[sflag:s29] =	ssyncadd.s32 $0xFFFFE000  }
.LBB2_11:
0x3a: {  	s12 =	stileid.u32  }
0x3b: {  	[bflag:$0x0] =	sbarrier.arrive $0xFFFF;
	s12 =	sshll.u32 s12, $0x6  }
0x3c: {  	s13 =	sshrl.u32 s8, $0x3;
	s15 =	rddreg [dreg:$0x11];
	s12 =	sor.u32 $0x1C03, s12  }
0x3d: {  	[hbm:s15], [sflag:s12] =	dma.local [spmem:s13], $0x1400  }
0x3e: {  	s11 =	sadd.s32 $0x1, s11;
	_ =	swait.ge [sflag:s29], $0x1400  }
0x3f: {  	p3 =	sne.s32 s11, s22;
	[sflag:s29] =	ssyncset.done $0x0  }
.Ltmp1:
0x40: {  	s20 =	sshrl.u32 s9, $0x3;
	[sflag:s29] =	ssyncadd.s32 $0xFFFFEC00;
	(pc) =	sbr.rel @!p3 .LBB2_12-.Ltmp1, $4  }
0x41: {  	[hbm:s21], [sflag:s12] =	dma.local [spmem:s20], $0x1400  }
0x42: {  	_ =	swait.ge [sflag:s29], $0x1400  }
0x43: {  	[sflag:s29] =	ssyncset.done $0x0  }
0x44: {  	[sflag:s29] =	ssyncadd.s32 $0xFFFFEC00  }
.LBB2_1:
0x45: {  	s12 =	simm.s32 $0x0;
	s13 =	simm.s32 $0x200  }
.LBB2_2:
0x46: {  	p3 =	sne.s32 s13, $0xBE00;
	[tilespmem:s12+$0x81F0] =	vst v0  }
0x47: {  	[tilespmem:s12+$0x0] =	vst v0  }
0x48: {  	[tilespmem:s12+$0x10] =	vst v0  }
0x49: {  	[tilespmem:s12+$0x20] =	vst v0  }
0x4a: {  	[tilespmem:s12+$0x30] =	vst v0  }
0x4b: {  	[tilespmem:s12+$0x40] =	vst v0  }
0x4c: {  	[tilespmem:s12+$0x50] =	vst v0  }
0x4d: {  	[tilespmem:s12+$0x60] =	vst v0  }
0x4e: {  	[tilespmem:s12+$0x70] =	vst v0  }
0x4f: {  	[tilespmem:s12+$0x8180] =	vst v0  }
0x50: {  	[tilespmem:s12+$0x8190] =	vst v0  }
.Ltmp2:
0x51: {  	[tilespmem:s12+$0x81A0] =	vst v0;
	(pc) =	sbr.rel @p3 .LBB2_2-.Ltmp2, $4  }
0x52: {  	[tilespmem:s12+$0x81B0] =	vst v0  }
0x53: {  	[tilespmem:s12+$0x81C0] =	vst v0  }
0x54: {  	[tilespmem:s12+$0x81D0] =	vst v0  }
0x55: {  	[tilespmem:s12+$0x81E0] =	vst v0;
	s12 =	sshra.s32 s13, $0x2;
	s13 =	sadd.s32 $0x200, s13  }
0x56: {  	[tilespmem:s12+$0x81F0] =	vst v0  }
0x57: {  	[tilespmem:s12+$0x0] =	vst v0  }
0x58: {  	[tilespmem:s12+$0x10] =	vst v0  }
0x59: {  	[tilespmem:s12+$0x20] =	vst v0  }
0x5a: {  	[tilespmem:s12+$0x30] =	vst v0  }
0x5b: {  	[tilespmem:s12+$0x40] =	vst v0  }
0x5c: {  	[tilespmem:s12+$0x50] =	vst v0  }
0x5d: {  	[tilespmem:s12+$0x60] =	vst v0  }
0x5e: {  	[tilespmem:s12+$0x70] =	vst v0  }
0x5f: {  	[tilespmem:s12+$0x8180] =	vst v0  }
0x60: {  	[tilespmem:s12+$0x8190] =	vst v0  }
0x61: {  	[tilespmem:s12+$0x81A0] =	vst v0  }
0x62: {  	[tilespmem:s12+$0x81B0] =	vst v0  }
0x63: {  	[tilespmem:s12+$0x81C0] =	vst v0  }
0x64: {  	[tilespmem:s12+$0x81D0] =	vst v0  }
0x65: {  	[tilespmem:s12+$0x81E0] =	vst v0;
	s20 =	simm.s32 $0x0  }
0x66: {  	[spmem:s8] =	stream.linear.scatter [tilespmem:s20], [sflag:$0x3], $0x3000, $0x38;
	[tilespmem:$0x1F280] =	vst v63  }
0x67: {  	_ =	swait.ge [sflag:s29], $0x3000  }
0x68: {  	[sflag:s29] =	ssyncset.done $0x0  }
0x69: {  	[sflag:s29] =	ssyncadd.s32 $0xFFFFD000  }
0x6a: {  	[spmem:s9] =	stream.linear.scatter [tilespmem:s30], [sflag:$0x3], $0x3000, $0x38;
	[tilespmem:$0x1F280] =	vst v63  }
0x6b: {  	_ =	swait.ge [sflag:s29], $0x3000  }
0x6c: {  	[sflag:s29] =	ssyncset.done $0x0  }
0x6d: {  	s13 =	rddreg [dreg:$0x8];
	[sflag:s29] =	ssyncadd.s32 $0xFFFFD000  }
0x6e: {  	[spmem:s13] =	stream.linear.scatter [tilespmem:s20], [sflag:$0x3], $0x3000, $0x38;
	[tilespmem:$0x1F280] =	vst v63  }
0x6f: {  	_ =	swait.ge [sflag:s29], $0x3000  }
0x70: {  	[sflag:s29] =	ssyncset.done $0x0  }
0x71: {  	s15 =	rddreg [dreg:$0x9];
	[sflag:s29] =	ssyncadd.s32 $0xFFFFD000  }
0x72: {  	[spmem:s15] =	stream.linear.scatter [tilespmem:s30], [sflag:$0x3], $0x3000, $0x38;
	[tilespmem:$0x1F280] =	vst v63  }
0x73: {  	_ =	swait.ge [sflag:s29], $0x3000  }
0x74: {  	[sflag:s29] =	ssyncset.done $0x0  }
0x75: {  	s16 =	rddreg [dreg:$0xa];
	[sflag:s29] =	ssyncadd.s32 $0xFFFFD000  }
0x76: {  	[spmem:s16] =	stream.linear.scatter [tilespmem:s20], [sflag:$0x3], $0x3000, $0x38;
	[tilespmem:$0x1F280] =	vst v63  }
0x77: {  	_ =	swait.ge [sflag:s29], $0x3000  }
0x78: {  	[sflag:s29] =	ssyncset.done $0x0  }
0x79: {  	s17 =	rddreg [dreg:$0xb];
	[sflag:s29] =	ssyncadd.s32 $0xFFFFD000  }
0x7a: {  	[spmem:s17] =	stream.linear.scatter [tilespmem:s30], [sflag:$0x3], $0x3000, $0x38;
	[tilespmem:$0x1F280] =	vst v63  }
0x7b: {  	_ =	swait.ge [sflag:s29], $0x3000  }
0x7c: {  	[sflag:s29] =	ssyncset.done $0x0  }
0x7d: {  	s18 =	rddreg [dreg:$0xc];
	[sflag:s29] =	ssyncadd.s32 $0xFFFFD000  }
0x7e: {  	[spmem:s18] =	stream.linear.scatter [tilespmem:s20], [sflag:$0x3], $0x1000, $0x38;
	[tilespmem:$0x1F280] =	vst v63  }
0x7f: {  	_ =	swait.ge [sflag:s29], $0x1000  }
0x80: {  	[sflag:s29] =	ssyncset.done $0x0  }
0x81: {  	s20 =	rddreg [dreg:$0xd];
	[sflag:s29] =	ssyncadd.s32 $0xFFFFF000  }
0x82: {  	[spmem:s20] =	stream.linear.scatter [tilespmem:s30], [sflag:$0x3], $0x1000, $0x38;
	[tilespmem:$0x1F280] =	vst v63  }
0x83: {  	_ =	swait.ge [sflag:s29], $0x1000  }
0x84: {  	[sflag:s29] =	ssyncset.done $0x0  }
0x85: {  	s12 =	simm.s32 $0x0;
	s13 =	simm.s32 $0x200;
	[sflag:s29] =	ssyncadd.s32 $0xFFFFF000  }
.LBB2_4:
0x86: {  	p3 =	sne.s32 s13, $0xBE00;
	[tilespmem:s12+$0x81F0] =	vst v1  }
0x87: {  	[tilespmem:s12+$0x8180] =	vst v1  }
0x88: {  	[tilespmem:s12+$0x8190] =	vst v1  }
.Ltmp3:
0x89: {  	[tilespmem:s12+$0x81A0] =	vst v1;
	(pc) =	sbr.rel @p3 .LBB2_4-.Ltmp3, $4  }
0x8a: {  	[tilespmem:s12+$0x81B0] =	vst v1  }
0x8b: {  	[tilespmem:s12+$0x81C0] =	vst v1  }
0x8c: {  	[tilespmem:s12+$0x81D0] =	vst v1  }
0x8d: {  	[tilespmem:s12+$0x81E0] =	vst v1;
	s12 =	sshra.s32 s13, $0x2;
	s13 =	sadd.s32 $0x200, s13  }
0x8e: {  	[tilespmem:s12+$0x81F0] =	vst v1  }
0x8f: {  	[tilespmem:s12+$0x8180] =	vst v1  }
0x90: {  	[tilespmem:s12+$0x8190] =	vst v1  }
0x91: {  	[tilespmem:s12+$0x81A0] =	vst v1  }
0x92: {  	[tilespmem:s12+$0x81B0] =	vst v1  }
0x93: {  	[tilespmem:s12+$0x81C0] =	vst v1  }
0x94: {  	[tilespmem:s12+$0x81D0] =	vst v1  }
0x95: {  	[tilespmem:s12+$0x81E0] =	vst v1  }
0x96: {  	[bflag:$0x0] =	sbarrier.arrive $0xFFFF  }
0x97: {  	s17 =	simm.s32 $0x0;
	s13 =	rddreg [dreg:$0xe]  }
0x98: {  	[tilespmem:s17], [sflag:$0x1] =	stream.linear.gather [hbm4b:s13+s17], $0x3000, $0x38;
	[tilespmem:$0x1F280] =	vst v63  }
0x99: {  	s18 =	rddreg [dreg:$0xf]  }
0x9a: {  	[tilespmem:s2], [sflag:$0x2] =	stream.linear.gather [hbm4b:s18+s17], $0x60, $0x38;
	[tilespmem:$0x1F280] =	vst v63  }
0x9b: {  	s20 =	sadd.s32 $0x0, s14  }
0x9c: {  	[tilespmem:s7], [sflag:$0x1] =	stream.linear.gather [hbm4b:s31+s6], $0x3000, $0x38;
	[tilespmem:$0x1F280] =	vst v63  }
0x9d: {  	s12 =	sadd.s32 $0x180, s20  }
0x9e: {  	[tilespmem:s19], [sflag:$0x2] =	stream.linear.gather [hbm4b:s12+s6], $0x60, $0x38;
	[tilespmem:$0x1F280] =	vst v63  }
0x9f: {  	_ =	swait.ge [sflag:s23], $0x3000  }
0xa0: {  	[sflag:s23] =	ssyncset.done $0x0  }
0xa1: {  	[sflag:s23] =	ssyncadd.s32 $0xFFFFD000  }
0xa2: {  	_ =	swait.ge [sflag:s24], $0x60  }
0xa3: {  	[sflag:s24] =	ssyncset.done $0x0  }
0xa4: {  	[sflag:s24] =	ssyncadd.s32 $0xFFFFFFA0  }
0xa5: {  	[spmem:s4] =	stream.indirect.scatter.add.f32 [tilespmem:s6], [sflag:$0x4], $0x80, s2, s25, $0xb8;
	[tilespmem:$0x1F280] =	vst v63  }
0xa6: {  	_ =	swait.ge [sflag:s26], $0x3000  }
0xa7: {  	[sflag:s26] =	ssyncset.done $0x0  }
0xa8: {  	[sflag:s26] =	ssyncadd.s32 $0xFFFFD000  }
0xa9: {  	[spmem:s5] =	stream.indirect.scatter.add.f32 [tilespmem:s30], [sflag:$0x4], $0x80, s2, s25, $0xb8;
	[tilespmem:$0x1F280] =	vst v63  }
0xaa: {  	p3 =	sgt.u32 s3, $0x410;
	_ =	swait.ge [sflag:s26], $0x3000  }
0xab: {  	s15 =	sadd.s32 @!p3 $0x0, s14;
	[sflag:s26] =	ssyncset.done $0x0  }
0xac: {  	s13 =	simm.s32 @!p3 $0x0;
	s12 =	sadd.s32 @!p3 $0xC000, s31;
	[sflag:s26] =	ssyncadd.s32 $0xFFFFD000  }
0xad: {  	[tilespmem:s13], [sflag:$0x1] =	stream.linear.gather @!p3 [hbm4b:s12+s13], $0x3000, $0x38;
	[tilespmem:$0x1F280] =	vst v63  }
0xae: {  	s15 =	sadd.s32 @!p3 $0x300, s15;
	s12 =	simm.s32 @!p3 $0x6000  }
0xaf: {  	[tilespmem:s12], [sflag:$0x2] =	stream.linear.gather @!p3 [hbm4b:s15+s13], $0x60, $0x38;
	[tilespmem:$0x1F280] =	vst v63  }
0xb0: {  	_ =	swait.ge [sflag:s23], $0x3000  }
0xb1: {  	[sflag:s23] =	ssyncset.done $0x0  }
0xb2: {  	[sflag:s23] =	ssyncadd.s32 $0xFFFFD000  }
0xb3: {  	_ =	swait.ge [sflag:s24], $0x60  }
0xb4: {  	[sflag:s24] =	ssyncset.done $0x0  }
0xb5: {  	[sflag:s24] =	ssyncadd.s32 $0xFFFFFFA0  }
0xb6: {  	[spmem:s4] =	stream.indirect.scatter.add.f32 [tilespmem:s7], [sflag:$0x4], $0x80, s19, s25, $0xb8;
	[tilespmem:$0x1F280] =	vst v63  }
0xb7: {  	_ =	swait.ge [sflag:s26], $0x3000  }
0xb8: {  	[sflag:s26] =	ssyncset.done $0x0  }
0xb9: {  	s12 =	simm.s32 $0x300;
	[sflag:s26] =	ssyncadd.s32 $0xFFFFD000  }
0xba: {  	[spmem:s5] =	stream.indirect.scatter.add.f32 [tilespmem:s30], [sflag:$0x3], $0x80, s19, s25, $0xb8;
	[tilespmem:$0x1F280] =	vst v63  }
0xbb: {  	s13 =	sadd.s32 $0x18000, s31;
	s15 =	sadd.s32 $0x40, s3;
	_ =	swait.ge [sflag:s29], $0x3000  }
.LBB2_6:
0xbc: {  	s16 =	sadd.s32 s12, s14  }
0xbd: {  	[sflag:s29] =	ssyncset.done $0x0;
	s17 =	smov.u32 s12;
	s12 =	sadd.s32 $0x300, s12  }
0xbe: {  	p3 =	sne.s32 s12, $0x3000;
	[sflag:s29] =	ssyncadd.s32 $0xFFFFD000  }
0xbf: {  	[tilespmem:s7], [sflag:$0x1] =	stream.linear.gather [hbm4b:s13+s6], $0x3000, $0x38;
	[tilespmem:$0x1F280] =	vst v63  }
0xc0: {  	s16 =	sadd.s32 $0x180, s16  }
0xc1: {  	[tilespmem:s19], [sflag:$0x2] =	stream.linear.gather [hbm4b:s16+s6], $0x60, $0x38;
	[tilespmem:$0x1F280] =	vst v63  }
0xc2: {  	_ =	swait.ge [sflag:s23], $0x3000  }
0xc3: {  	[sflag:s23] =	ssyncset.done $0x0  }
0xc4: {  	[sflag:s23] =	ssyncadd.s32 $0xFFFFD000  }
0xc5: {  	_ =	swait.ge [sflag:s24], $0x60  }
0xc6: {  	[sflag:s24] =	ssyncset.done $0x0  }
0xc7: {  	[sflag:s24] =	ssyncadd.s32 $0xFFFFFFA0  }
0xc8: {  	[spmem:s4] =	stream.indirect.scatter.add.f32 [tilespmem:s6], [sflag:$0x4], $0x80, s2, s25, $0xb8;
	[tilespmem:$0x1F280] =	vst v63  }
0xc9: {  	_ =	swait.ge [sflag:s26], $0x3000  }
0xca: {  	[sflag:s26] =	ssyncset.done $0x0  }
0xcb: {  	[sflag:s26] =	ssyncadd.s32 $0xFFFFD000  }
0xcc: {  	[spmem:s5] =	stream.indirect.scatter.add.f32 [tilespmem:s30], [sflag:$0x4], $0x80, s2, s25, $0xb8;
	[tilespmem:$0x1F280] =	vst v63  }
0xcd: {  	p4 =	sgt.u32 s15, $0x410;
	_ =	swait.ge [sflag:s26], $0x3000  }
0xce: {  	s18 =	simm.s32 @!p4 $0x0;
	s16 =	sadd.s32 @!p4 $0xC000, s13;
	[sflag:s26] =	ssyncset.done $0x0  }
0xcf: {  	s17 =	sadd.s32 @!p4 s17, s14;
	s20 =	simm.s32 @!p4 $0x6000;
	[sflag:s26] =	ssyncadd.s32 $0xFFFFD000  }
0xd0: {  	[tilespmem:s18], [sflag:$0x1] =	stream.linear.gather @!p4 [hbm4b:s16+s18], $0x3000, $0x38;
	[tilespmem:$0x1F280] =	vst v63  }
0xd1: {  	s16 =	sadd.s32 @!p4 $0x300, s17  }
0xd2: {  	[tilespmem:s20], [sflag:$0x2] =	stream.linear.gather @!p4 [hbm4b:s16+s18], $0x60, $0x38;
	[tilespmem:$0x1F280] =	vst v63  }
0xd3: {  	_ =	swait.ge [sflag:s23], $0x3000  }
0xd4: {  	[sflag:s23] =	ssyncset.done $0x0  }
0xd5: {  	[sflag:s23] =	ssyncadd.s32 $0xFFFFD000  }
0xd6: {  	_ =	swait.ge [sflag:s24], $0x60  }
0xd7: {  	[sflag:s24] =	ssyncset.done $0x0  }
0xd8: {  	[sflag:s24] =	ssyncadd.s32 $0xFFFFFFA0  }
0xd9: {  	[spmem:s4] =	stream.indirect.scatter.add.f32 [tilespmem:s7], [sflag:$0x4], $0x80, s19, s25, $0xb8;
	[tilespmem:$0x1F280] =	vst v63  }
.Ltmp4:
0xda: {  	_ =	swait.ge [sflag:s26], $0x3000;
	(pc) =	sbr.rel @p3 .LBB2_6-.Ltmp4, $4  }
0xdb: {  	[sflag:s26] =	ssyncset.done $0x0  }
0xdc: {  	[sflag:s26] =	ssyncadd.s32 $0xFFFFD000  }
0xdd: {  	[spmem:s5] =	stream.indirect.scatter.add.f32 [tilespmem:s30], [sflag:$0x3], $0x80, s19, s25, $0xb8;
	[tilespmem:$0x1F280] =	vst v63  }
0xde: {  	s15 =	sadd.s32 $0x40, s15;
	s13 =	sadd.s32 $0x18000, s13;
	_ =	swait.ge [sflag:s29], $0x3000  }
0xdf: {  	[sflag:s29] =	ssyncset.done $0x0  }
0xe0: {  	s12 =	simm.s32 @!p0 $0x1;
	[sflag:s29] =	ssyncadd.s32 $0xFFFFD000  }
0xe1: {  	_ =	swait.ge @!p0 [sflag:s12], $0x3000  }
0xe2: {  	[sflag:s12] =	ssyncset.done @!p0 $0x0  }
0xe3: {  	[sflag:s12] =	ssyncadd.s32 @!p0 $0xFFFFD000;
	s12 =	simm.s32 @!p0 $0x2  }
0xe4: {  	_ =	swait.ge @!p0 [sflag:s12], $0x60  }
0xe5: {  	s13 =	simm.s32 @!p0 $0x6000;
	[sflag:s12] =	ssyncset.done @!p0 $0x0  }
0xe6: {  	s15 =	simm.s32 @!p0 $0x0;
	[sflag:s12] =	ssyncadd.s32 @!p0 $0xFFFFFFA0;
	s12 =	simm.s32 @!p0 $0x60  }
0xe7: {  	[spmem:s4] =	stream.indirect.scatter.add.f32 @!p0 [tilespmem:s15], [sflag:$0x4], $0x80, s13, s12, $0xb8;
	[tilespmem:$0x1F280] =	vst v63  }
0xe8: {  	s15 =	simm.s32 @!p0 $0x4  }
0xe9: {  	_ =	swait.ge @!p0 [sflag:s15], $0x3000  }
0xea: {  	[sflag:s15] =	ssyncset.done @!p0 $0x0  }
.Ltmp5:
0xeb: {  	s16 =	simm.s32 @!p0 $0x8180;
	[sflag:s15] =	ssyncadd.s32 @!p0 $0xFFFFD000;
	(pc) =	sbr.rel @p1 .LBB2_10-.Ltmp5, $4  }
0xec: {  	[spmem:s5] =	stream.indirect.scatter.add.f32 @!p0 [tilespmem:s16], [sflag:$0x4], $0x80, s13, s12, $0xb8;
	[tilespmem:$0x1F280] =	vst v63  }
0xed: {  	_ =	swait.ge @!p0 [sflag:s15], $0x3000  }
0xee: {  	[sflag:s15] =	ssyncset.done @!p0 $0x0  }
0xef: {  	[sflag:s15] =	ssyncadd.s32 @!p0 $0xFFFFD000  }
.Ltmp6:
0xf0: {  	(pc) =	sbr.rel @p2 .LBB2_11-.Ltmp6, $1  }
0xf1: {  	_ =	sdelay $0x3  }
0xf2: {  	s12 =	rddreg [dreg:$0x2]  }
0xf3: {  	[tilespmem:s0], [sflag:$0x3] =	stream.linear.gather [hbm4b:s12+s6], $0x80, $0x38;
	[tilespmem:$0x1F280] =	vst v63  }
0xf4: {  	_ =	swait.ge [sflag:s29], $0x80  }
0xf5: {  	[sflag:s29] =	ssyncset.done $0x0  }
0xf6: {  	[sflag:s29] =	ssyncadd.s32 $0xFFFFFF80  }
0xf7: {  	[tilespmem:s10], [sflag:$0x3] =	stream.indirect.gather [hbm4b:s1+s28], $0x1, s0, s28, $0xb8;
	[tilespmem:$0x1F280] =	vst v63  }
0xf8: {  	_ =	swait.ge [sflag:s29], $0x80  }
0xf9: {  	[sflag:s29] =	ssyncset.done $0x0  }
0xfa: {  	s17 =	rddreg [dreg:$0x7];
	[sflag:s29] =	ssyncadd.s32 $0xFFFFFF80  }
0xfb: {  	[hbm4b:s17+s6] =	stream.linear.scatter [tilespmem:s10], [sflag:$0x3], $0x80, $0x38;
	[tilespmem:$0x1F280] =	vst v63  }
0xfc: {  	_ =	swait.ge [sflag:s29], $0x80  }
0xfd: {  	[sflag:s29] =	ssyncset.done $0x0  }
0xfe: {  	s18 =	rddreg [dreg:$0x1a];
	[sflag:s29] =	ssyncadd.s32 $0xFFFFFF80  }
0xff: {  	[tilespmem:s0], [sflag:$0x3] =	stream.linear.gather [hbm4b:s18+s6], $0x80, $0x38;
	[tilespmem:$0x1F280] =	vst v63  }
0x100: {  	_ =	swait.ge [sflag:s29], $0x80  }
0x101: {  	[sflag:s29] =	ssyncset.done $0x0  }
0x102: {  	[sflag:s29] =	ssyncadd.s32 $0xFFFFFF80  }
0x103: {  	[tilespmem:s10], [sflag:$0x3] =	stream.indirect.gather [hbm4b:s1+s28], $0x1, s0, s28, $0xb8;
	[tilespmem:$0x1F280] =	vst v63  }
0x104: {  	_ =	swait.ge [sflag:s29], $0x80  }
0x105: {  	[sflag:s29] =	ssyncset.done $0x0  }
0x106: {  	s20 =	rddreg [dreg:$0x12];
	[sflag:s29] =	ssyncadd.s32 $0xFFFFFF80  }
0x107: {  	[hbm4b:s20+s6] =	stream.linear.scatter [tilespmem:s10], [sflag:$0x3], $0x80, $0x38;
	[tilespmem:$0x1F280] =	vst v63  }
0x108: {  	_ =	swait.ge [sflag:s29], $0x80  }
0x109: {  	[sflag:s29] =	ssyncset.done $0x0  }
0x10a: {  	s13 =	rddreg [dreg:$0x1b];
	[sflag:s29] =	ssyncadd.s32 $0xFFFFFF80  }
0x10b: {  	[tilespmem:s0], [sflag:$0x3] =	stream.linear.gather [hbm4b:s13+s6], $0x80, $0x38;
	[tilespmem:$0x1F280] =	vst v63  }
0x10c: {  	_ =	swait.ge [sflag:s29], $0x80  }
0x10d: {  	[sflag:s29] =	ssyncset.done $0x0  }
0x10e: {  	[sflag:s29] =	ssyncadd.s32 $0xFFFFFF80  }
0x10f: {  	[tilespmem:s10], [sflag:$0x3] =	stream.indirect.gather [hbm4b:s1+s28], $0x1, s0, s28, $0xb8;
	[tilespmem:$0x1F280] =	vst v63  }
0x110: {  	_ =	swait.ge [sflag:s29], $0x80  }
0x111: {  	[sflag:s29] =	ssyncset.done $0x0  }
0x112: {  	s15 =	rddreg [dreg:$0x13];
	[sflag:s29] =	ssyncadd.s32 $0xFFFFFF80  }
0x113: {  	[hbm4b:s15+s6] =	stream.linear.scatter [tilespmem:s10], [sflag:$0x3], $0x80, $0x38;
	[tilespmem:$0x1F280] =	vst v63  }
0x114: {  	_ =	swait.ge [sflag:s29], $0x80  }
0x115: {  	[sflag:s29] =	ssyncset.done $0x0  }
0x116: {  	s16 =	rddreg [dreg:$0x1c];
	[sflag:s29] =	ssyncadd.s32 $0xFFFFFF80  }
0x117: {  	[tilespmem:s0], [sflag:$0x3] =	stream.linear.gather [hbm4b:s16+s6], $0x80, $0x38;
	[tilespmem:$0x1F280] =	vst v63  }
0x118: {  	_ =	swait.ge [sflag:s29], $0x80  }
0x119: {  	[sflag:s29] =	ssyncset.done $0x0  }
0x11a: {  	[sflag:s29] =	ssyncadd.s32 $0xFFFFFF80  }
0x11b: {  	[tilespmem:s10], [sflag:$0x3] =	stream.indirect.gather [hbm4b:s1+s28], $0x1, s0, s28, $0xb8;
	[tilespmem:$0x1F280] =	vst v63  }
0x11c: {  	_ =	swait.ge [sflag:s29], $0x80  }
0x11d: {  	[sflag:s29] =	ssyncset.done $0x0  }
0x11e: {  	s17 =	rddreg [dreg:$0x14];
	[sflag:s29] =	ssyncadd.s32 $0xFFFFFF80  }
0x11f: {  	[hbm4b:s17+s6] =	stream.linear.scatter [tilespmem:s10], [sflag:$0x3], $0x80, $0x38;
	[tilespmem:$0x1F280] =	vst v63  }
0x120: {  	_ =	swait.ge [sflag:s29], $0x80  }
0x121: {  	[sflag:s29] =	ssyncset.done $0x0  }
0x122: {  	s18 =	rddreg [dreg:$0x1d];
	[sflag:s29] =	ssyncadd.s32 $0xFFFFFF80  }
0x123: {  	[tilespmem:s0], [sflag:$0x3] =	stream.linear.gather [hbm4b:s18+s6], $0x80, $0x38;
	[tilespmem:$0x1F280] =	vst v63  }
0x124: {  	_ =	swait.ge [sflag:s29], $0x80  }
0x125: {  	[sflag:s29] =	ssyncset.done $0x0  }
0x126: {  	[sflag:s29] =	ssyncadd.s32 $0xFFFFFF80  }
0x127: {  	[tilespmem:s10], [sflag:$0x3] =	stream.indirect.gather [hbm4b:s1+s28], $0x1, s0, s28, $0xb8;
	[tilespmem:$0x1F280] =	vst v63  }
0x128: {  	_ =	swait.ge [sflag:s29], $0x80  }
0x129: {  	[sflag:s29] =	ssyncset.done $0x0  }
0x12a: {  	s20 =	rddreg [dreg:$0x15];
	[sflag:s29] =	ssyncadd.s32 $0xFFFFFF80  }
0x12b: {  	[hbm4b:s20+s6] =	stream.linear.scatter [tilespmem:s10], [sflag:$0x3], $0x80, $0x38;
	[tilespmem:$0x1F280] =	vst v63  }
0x12c: {  	_ =	swait.ge [sflag:s29], $0x80  }
0x12d: {  	[sflag:s29] =	ssyncset.done $0x0  }
0x12e: {  	s13 =	rddreg [dreg:$0x1e];
	[sflag:s29] =	ssyncadd.s32 $0xFFFFFF80  }
0x12f: {  	[tilespmem:s0], [sflag:$0x3] =	stream.linear.gather [hbm4b:s13+s6], $0x80, $0x38;
	[tilespmem:$0x1F280] =	vst v63  }
0x130: {  	_ =	swait.ge [sflag:s29], $0x80  }
0x131: {  	[sflag:s29] =	ssyncset.done $0x0  }
0x132: {  	[sflag:s29] =	ssyncadd.s32 $0xFFFFFF80  }
0x133: {  	[tilespmem:s10], [sflag:$0x3] =	stream.indirect.gather [hbm4b:s1+s28], $0x1, s0, s28, $0xb8;
	[tilespmem:$0x1F280] =	vst v63  }
0x134: {  	_ =	swait.ge [sflag:s29], $0x80  }
0x135: {  	[sflag:s29] =	ssyncset.done $0x0  }
0x136: {  	s15 =	rddreg [dreg:$0x16];
	[sflag:s29] =	ssyncadd.s32 $0xFFFFFF80  }
0x137: {  	[hbm4b:s15+s6] =	stream.linear.scatter [tilespmem:s10], [sflag:$0x3], $0x80, $0x38;
	[tilespmem:$0x1F280] =	vst v63  }
0x138: {  	_ =	swait.ge [sflag:s29], $0x80  }
0x139: {  	[sflag:s29] =	ssyncset.done $0x0  }
0x13a: {  	s16 =	rddreg [dreg:$0x1f];
	[sflag:s29] =	ssyncadd.s32 $0xFFFFFF80  }
0x13b: {  	[tilespmem:s0], [sflag:$0x3] =	stream.linear.gather [hbm4b:s16+s6], $0x80, $0x38;
	[tilespmem:$0x1F280] =	vst v63  }
0x13c: {  	_ =	swait.ge [sflag:s29], $0x80  }
0x13d: {  	[sflag:s29] =	ssyncset.done $0x0  }
0x13e: {  	[sflag:s29] =	ssyncadd.s32 $0xFFFFFF80  }
0x13f: {  	[tilespmem:s10], [sflag:$0x3] =	stream.indirect.gather [hbm4b:s1+s28], $0x1, s0, s28, $0xb8;
	[tilespmem:$0x1F280] =	vst v63  }
0x140: {  	_ =	swait.ge [sflag:s29], $0x80  }
0x141: {  	[sflag:s29] =	ssyncset.done $0x0  }
0x142: {  	s17 =	rddreg [dreg:$0x17];
	[sflag:s29] =	ssyncadd.s32 $0xFFFFFF80  }
0x143: {  	[hbm4b:s17+s6] =	stream.linear.scatter [tilespmem:s10], [sflag:$0x3], $0x80, $0x38;
	[tilespmem:$0x1F280] =	vst v63  }
0x144: {  	_ =	swait.ge [sflag:s29], $0x80  }
0x145: {  	s18 =	sld [smem:$0x7FD]  }
0x146: {  	[sflag:s29] =	ssyncset.done $0x0  }
0x147: {  	[sflag:s29] =	ssyncadd.s32 $0xFFFFFF80  }
0x148: {  	[tilespmem:s0], [sflag:$0x3] =	stream.linear.gather [hbm4b:s18+s6], $0x80, $0x38;
	[tilespmem:$0x1F280] =	vst v63  }
0x149: {  	_ =	swait.ge [sflag:s29], $0x80  }
0x14a: {  	[sflag:s29] =	ssyncset.done $0x0  }
0x14b: {  	[sflag:s29] =	ssyncadd.s32 $0xFFFFFF80  }
0x14c: {  	[tilespmem:s10], [sflag:$0x3] =	stream.indirect.gather [hbm4b:s1+s28], $0x1, s0, s28, $0xb8;
	[tilespmem:$0x1F280] =	vst v63  }
0x14d: {  	_ =	swait.ge [sflag:s29], $0x80  }
0x14e: {  	[sflag:s29] =	ssyncset.done $0x0  }
.Ltmp7:
0x14f: {  	s20 =	rddreg [dreg:$0x18];
	[sflag:s29] =	ssyncadd.s32 $0xFFFFFF80;
	(pc) =	sbr.rel .LBB2_11-.Ltmp7, $4  }
0x150: {  	[hbm4b:s20+s6] =	stream.linear.scatter [tilespmem:s10], [sflag:$0x3], $0x80, $0x38;
	[tilespmem:$0x1F280] =	vst v63  }
0x151: {  	_ =	swait.ge [sflag:s29], $0x80  }
0x152: {  	[sflag:s29] =	ssyncset.done $0x0  }
0x153: {  	[sflag:s29] =	ssyncadd.s32 $0xFFFFFF80  }
.LBB2_12:
0x154: {  	_ =	sfence.sel $0x180000  }
0x155: {  	[bflag:$0x0] =	sbarrier.arrive $0xFFFF  }
0x156: {  	_ =	strace $0x90000047  }
0x157: {  	s0 =	stileid.u32;
	[bflag:$0x2] =	sbarrier.arrive $0xFFFF  }
0x158: {  	p0 =	sne.s32 s0, $0x0;
	s0 =	rddreg [dreg:$0x6]  }
0x159: {  	s0 =	sadd.s32 @!p0 $0x100000, s0  }
0x15a: {  	[sflag:s0] =	ssyncadd.tile.s32 @!p0 $0x1;
	_ =	shalt  }
.Lfunc_end2:
_tile_overlayer_lowered:
.L_overlay_start_2:
0x15b: {  	(tag) =	ssettag $0x2  }
0x15c: {  	s0 =	rddreg [dreg:$0x0];
	s2 =	stileid.u32  }
0x15d: {  	s1 =	rddreg [dreg:$0x1];
	p0 =	sne.s32 s2, $0x0  }
0x15e: {  	s3 =	rddreg [dreg:$0x2];
	[bflag:$0x3] =	sbarrier.arrive $0xFFFF;
	s2 =	simm.s32 @!p0 $0x1C03  }
0x15f: {  	[timem:s3], [sflag:s2] =	dma.local @!p0 [hbm:s0], s1  }
0x160: {  	s0 =	simm.s32 @!p0 $0x3  }
0x161: {  	_ =	swait.ge @!p0 [sflag:s0], s1  }
0x162: {  	s1 =	ssub.s32 @!p0 $0x0, s1;
	[sflag:s0] =	ssyncset.done @!p0 $0x0  }
0x163: {  	[sflag:s0] =	ssyncadd.s32 @!p0 s1  }
0x164: {  	[bflag:$0x3] =	sbarrier.arrive $0xFFFF  }
0x165: {  	_ =	shalt  }

</sc_bundles>
